<compile_context>
chip_gen: v7x
topology: tpu7x:2x2x1
jax: 0.10.2.dev20260603
libtpu: 0.0.44.dev20260713+nightly
codegen_flags: <defaults>
</compile_context>

<pallas_src>
import functools
import jax
import jax.numpy as jnp
from jax import lax
from jax.experimental import pallas as pl
from jax.experimental.pallas import tpu as pltpu
from jax.experimental.pallas import tpu_sc as plsc

T = 0.1
M_MARGIN = 0.0
NEG_IOU = 0.5
L = 16


def _sc_gather_kernel(i2ds_hbm, vf2_hbm, out_hbm, iou_v, idx_v, rows_v, out_v,
                      bv_ref, bi_ref, sem):
    s = lax.axis_index("s") * 2 + lax.axis_index("c")
    P = 4096
    C = 256
    pltpu.sync_copy(i2ds_hbm.at[s], iou_v)

    iota = lax.iota(jnp.int32, L)

    def body(i, carry):
        bv, bi = carry
        vals = iou_v[pl.ds(i * L, L)]
        idxs = iota + i * L
        upd = vals > bv
        return (jnp.where(upd, vals, bv), jnp.where(upd, idxs, bi))

    bv, bi = lax.fori_loop(0, P // L, body,
                           (jnp.full((L,), -jnp.inf, jnp.float32),
                            jnp.zeros((L,), jnp.int32)))
    bv_ref[pl.ds(0, L)] = bv
    bi_ref[pl.ds(0, L)] = bi

    for shift in (8, 4, 2, 1):
        perm = (iota + shift) & (L - 1)
        sv = plsc.load_gather(bv_ref, [perm])
        si = plsc.load_gather(bi_ref, [perm])
        v0 = bv_ref[pl.ds(0, L)]
        i0 = bi_ref[pl.ds(0, L)]
        better = (sv > v0) | ((sv == v0) & (si < i0))
        bv_ref[pl.ds(0, L)] = jnp.where(better, sv, v0)
        bi_ref[pl.ds(0, L)] = jnp.where(better, si, i0)
    qv = bi_ref[pl.ds(0, L)]

    base_v = s * (C * 32) + qv // 128
    for j in range(C // L):
        idx_v[pl.ds(j * L, L)] = base_v + (iota + j * L) * 32
    pltpu.async_copy(vf2_hbm.at[idx_v], rows_v, sem).wait()

    lane = qv % 128
    for j in range(C // L):
        out_v[pl.ds(j * L, L)] = plsc.load_gather(
            rows_v, [iota + j * L, lane])
    pltpu.sync_copy(out_v, out_hbm.at[s])


def _loss_kernel(va_ref, vb_ref, ia_ref, ib_ref, xu_ref, out_ref, acc_ref):
    b = pl.program_id(0)
    nh = pl.num_programs(0)
    s_tot = xu_ref.shape[0]

    @pl.when(b == 0)
    def _init():
        acc_ref[...] = jnp.zeros_like(acc_ref)

    xu = xu_ref[...]
    xn = jnp.sqrt(jnp.sum(xu * xu, axis=1, keepdims=True))
    x = xu / jnp.maximum(xn, 1e-12)
    rows = jax.lax.broadcasted_iota(jnp.int32, (s_tot, 1), 0)
    for v_ref, iou_ref, bidx in ((va_ref, ia_ref, b), (vb_ref, ib_ref, b + nh)):
        v = v_ref[0]
        g = jax.lax.dot_general(x, v, (((1,), (0,)), ((), ())),
                                preferred_element_type=jnp.float32)
        nrm = jnp.maximum(jnp.sqrt(jnp.sum(v * v, axis=0, keepdims=True)), 1e-12)
        e = jnp.exp(g / (nrm * T))
        iou = iou_ref[0]
        w = jnp.where((rows == bidx) & (iou > NEG_IOU), 0.0, 1.0)
        ew = e * w
        acc_ref[...] += jnp.sum(ew.reshape(s_tot, ew.shape[1] // 128, 128),
                                axis=1)

    @pl.when(b == nh - 1)
    def _fin():
        neg = jnp.sum(acc_ref[...], axis=1)
        ip = jnp.sum(x * x, axis=1) - M_MARGIN
        loss = -(ip / T - jnp.log(jnp.exp(ip / T) + neg))
        out_ref[...] = jnp.mean(loss).reshape(1, 1)


def kernel(video_feats, sents_feats, num_sentences, num_targets, iou2d, iou2ds, mask2d, epoch):
    S, C, N, _ = video_feats.shape
    P = N * N
    H = S // 2
    vf = video_feats.reshape(S, C, P)
    vf2 = video_feats.reshape(S * C * (P // 128), 128)
    i2ds = iou2ds.reshape(S, P)
    i2d = iou2d.reshape(S, 1, P)

    sc = functools.partial(
        pl.kernel,
        out_type=jax.ShapeDtypeStruct((S, C), jnp.float32),
        mesh=plsc.VectorSubcoreMesh(core_axis_name="c", subcore_axis_name="s"),
        compiler_params=pltpu.CompilerParams(needs_layout_passes=False),
        scratch_types=[
            pltpu.VMEM((P,), jnp.float32),
            pltpu.VMEM((C,), jnp.int32),
            pltpu.VMEM((C, 128), jnp.float32),
            pltpu.VMEM((C,), jnp.float32),
            pltpu.VMEM((128,), jnp.float32),
            pltpu.VMEM((128,), jnp.int32),
            pltpu.SemaphoreType.DMA,
        ],
    )(_sc_gather_kernel)
    xu = sc(i2ds, vf2)

    out = pl.pallas_call(
        _loss_kernel,
        grid=(H,),
        in_specs=[
            pl.BlockSpec((1, C, P), lambda b: (b, 0, 0)),
            pl.BlockSpec((1, C, P), lambda b, H=H: (b + H, 0, 0)),
            pl.BlockSpec((1, 1, P), lambda b: (b, 0, 0)),
            pl.BlockSpec((1, 1, P), lambda b, H=H: (b + H, 0, 0)),
            pl.BlockSpec((S, C), lambda b: (0, 0)),
        ],
        out_specs=pl.BlockSpec((1, 1), lambda b: (0, 0)),
        out_shape=jax.ShapeDtypeStruct((1, 1), jnp.float32),
        scratch_shapes=[pltpu.VMEM((S, 128), jnp.float32)],
    )(vf, vf, i2d, i2d, xu)

    return out[0, 0]

# --- scband reference (transcript-rebuilt; emitter-appended) ---
"""Pipeline reference for scband-intra-contrastive-loss-dns-14491219657441 (READ-ONLY COPY).

The authoritative reference and input builder live on the scoring server;
editing this copy changes nothing except your own understanding.
"""

import jax, jax.numpy as jnp
import numpy as np

T = 0.1
M_MARGIN = 0.0
NEG_IOU = 0.5
K = 1
WEIGHT = 1.0


def _l2norm(x):
    return x / jnp.maximum(jnp.linalg.norm(x, axis=-1, keepdims=True), 1e-12)


def setup_inputs(seed: int = 0) -> dict:
    key = jax.random.key(seed)
    k1, k2, k3, k4 = jax.random.split(key, 4)
    S, C, N, B = 32, 256, 64, 32
    video_feats = jax.random.normal(k1, (S, C, N, N), dtype=jnp.float32)
    sents_feats = jax.random.normal(k2, (S, C), dtype=jnp.float32)
    num_sentences = jnp.ones((B,), dtype=jnp.int32)
    num_targets = jnp.ones((S,), dtype=jnp.int32)
    iou2d = jax.random.uniform(k3, (S, N, N), dtype=jnp.float32)
    iou2ds = jax.random.uniform(k4, (S, N, N), dtype=jnp.float32)
    mask2d = jnp.ones((N, N), dtype=bool)
    return {"video_feats": video_feats, "sents_feats": sents_feats,
            "num_sentences": num_sentences, "num_targets": num_targets,
            "iou2d": iou2d, "iou2ds": iou2ds, "mask2d": mask2d, "epoch": 5}


def reference(video_feats, sents_feats, num_sentences, num_targets, iou2d, iou2ds, mask2d, epoch):
    S, C, N, _ = video_feats.shape
    B = num_sentences.shape[0]
    Mtot = num_targets.shape[0]
    mask_flat = mask2d.reshape(-1)
    P = mask_flat.shape[0]
    sel = jnp.nonzero(mask_flat, size=P)[0]
    scatter_m2s = jnp.repeat(jnp.arange(S), num_targets, total_repeat_length=Mtot)
    scatter_b2s = jnp.concatenate([jnp.zeros((1,), dtype=jnp.int32),
                                   jnp.cumsum(num_sentences)[:-1]]).astype(jnp.int32)
    scatter_s2b = jnp.repeat(jnp.arange(B), num_sentences, total_repeat_length=B)
    # masked_select over proposals
    vf = jnp.take(video_feats.reshape(S, C, N * N), sel, axis=2).transpose(0, 2, 1)  # [S,P,C]
    i2d = jnp.take(iou2d.reshape(S, N * N), sel, axis=1)    # [S,P]
    i2ds = jnp.take(iou2ds.reshape(Mtot, N * N), sel, axis=1)  # [M,P]
    vf = _l2norm(vf)
    sf = _l2norm(sents_feats)
    # pair combinations per sentence
    starts = jnp.cumsum(num_targets * K) - num_targets * K
    ref_idx = starts
    pos_idx = starts
    scatter_e2s = jnp.repeat(jnp.arange(S), num_targets, total_repeat_length=Mtot)
    # top-k proposals by iou per moment
    topk_idxs = jax.lax.top_k(i2ds, K)[1]  # [M,K]
    allm = vf[scatter_m2s]  # [M,P,C]
    topk_vf = jnp.take_along_axis(allm, topk_idxs[:, :, None], axis=1)  # [M,K,C]
    pos_vf = topk_vf.reshape(Mtot * K, C)
    intra_pos = jnp.sum(pos_vf[ref_idx] * pos_vf[pos_idx], axis=1)  # [E]
    intra_all = pos_vf @ vf[scatter_b2s].reshape(-1, C).T  # [MK, B*P]
    # pos / neg masks
    block = (scatter_s2b[:, None] == jnp.arange(B)[None, :])  # [S,B]
    s2v = i2d > NEG_IOU  # [S,P]
    pos_mask = (block[:, :, None] & s2v[:, None, :]).reshape(S, B * P)
    neg_mask = ~pos_mask
    nm = neg_mask[scatter_e2s]  # [E, B*P]
    all_scores = intra_all[ref_idx]  # [E, B*P]
    pos_exp = jnp.exp((intra_pos - M_MARGIN) / T)
    neg_exp_sum = jnp.sum(jnp.exp(all_scores / T) * nm, axis=-1)
    loss = -((intra_pos - M_MARGIN) / T - jnp.log(pos_exp + neg_exp_sum))
    return jnp.mean(loss) * WEIGHT

if __name__ == "__main__":
    import jax
    _d = setup_inputs()
    print(jax.jit(kernel)(*tuple(_d.values())))

</pallas_src>

<mosaic_0001>
#map = affine_map<(d0, d1) -> (0, 0)>
module attributes {stable_mosaic.version = 14 : i64} {
  func.func @_sc_gather_kernel(%arg0: i32, %arg1: i32, %arg2: memref<32x4096xf32, #tpu.memory_space<hbm>>, %arg3: memref<262144x128xf32, #tpu.memory_space<hbm>>, %arg4: memref<32x256xf32, #tpu.memory_space<hbm>>, %arg5: memref<4096xf32, #tpu.memory_space<vmem>>, %arg6: memref<256xi32, #tpu.memory_space<vmem>>, %arg7: memref<256x128xf32, #tpu.memory_space<vmem>>, %arg8: memref<256xf32, #tpu.memory_space<vmem>>, %arg9: memref<128xf32, #tpu.memory_space<vmem>>, %arg10: memref<128xi32, #tpu.memory_space<vmem>>, %arg11: memref<!tpu.dma_semaphore, #tpu.memory_space<semaphore_mem>>) attributes {dimension_semantics = [#tpu.dimension_semantics<core_parallel>, #tpu.dimension_semantics<subcore_parallel>], iteration_bounds = array<i64: 2, 16>, scalar_prefetch = 0 : i64, scratch_operands = 7 : i64, tpu.core_type = #tpu.core_type<sc_vector_subcore>, window_params = [{transform_indices = #map}, {transform_indices = #map}, {transform_indices = #map}]} {
    %mul3A = arith.constant 2 : i32
    %mul3A_0 = arith.muli %arg1, %mul3A : i32
    %add3A = arith.addi %mul3A_0, %arg0 : i32
    "tpu.region"() ({
      %run_scoped3A = tpu.sem_alloc : memref<!tpu.dma_semaphore, #tpu.memory_space<semaphore_mem>>
      %dma_start3A_393 = arith.constant 0 : i32
      %dma_start3A_394 = tpu.memref_slice %arg2[%add3A, %dma_start3A_393] : memref<32x4096xf32, #tpu.memory_space<hbm>> -> memref<1x4096xf32, #tpu.memory_space<hbm>>
      %dma_start3A_395 = tpu.memref_squeeze %dma_start3A_394 : memref<1x4096xf32, #tpu.memory_space<hbm>> -> memref<4096xf32, #tpu.memory_space<hbm>>
      %dma_start3A_396 = arith.constant 0 : i32
      %dma_start3A_397 = tpu.memref_slice %arg2[%add3A, %dma_start3A_396] : memref<32x4096xf32, #tpu.memory_space<hbm>> -> memref<1x4096xf32, #tpu.memory_space<hbm>>
      %dma_start3A_398 = tpu.memref_squeeze %dma_start3A_397 : memref<1x4096xf32, #tpu.memory_space<hbm>> -> memref<4096xf32, #tpu.memory_space<hbm>>
      tpu.enqueue_dma source(%dma_start3A_398 : memref<4096xf32, #tpu.memory_space<hbm>>) target(%arg5 : memref<4096xf32, #tpu.memory_space<vmem>>) target_semaphore(%run_scoped3A : memref<!tpu.dma_semaphore, #tpu.memory_space<semaphore_mem>>)
      %dma_wait3A_399 = arith.constant 0 : i32
      %dma_wait3A_400 = tpu.memref_slice %arg2[%add3A, %dma_wait3A_399] : memref<32x4096xf32, #tpu.memory_space<hbm>> -> memref<1x4096xf32, #tpu.memory_space<hbm>>
      %dma_wait3A_401 = tpu.memref_squeeze %dma_wait3A_400 : memref<1x4096xf32, #tpu.memory_space<hbm>> -> memref<4096xf32, #tpu.memory_space<hbm>>
      %dma_wait3A_402 = arith.constant 0 : i32
      %dma_wait3A_403 = tpu.memref_slice %arg2[%add3A, %dma_wait3A_402] : memref<32x4096xf32, #tpu.memory_space<hbm>> -> memref<1x4096xf32, #tpu.memory_space<hbm>>
      %dma_wait3A_404 = tpu.memref_squeeze %dma_wait3A_403 : memref<1x4096xf32, #tpu.memory_space<hbm>> -> memref<4096xf32, #tpu.memory_space<hbm>>
      tpu.wait_dma2 semaphore(%run_scoped3A : memref<!tpu.dma_semaphore, #tpu.memory_space<semaphore_mem>>) src(%dma_wait3A_404 : memref<4096xf32, #tpu.memory_space<hbm>>) dst(%arg5 : memref<4096xf32, #tpu.memory_space<vmem>>)
      tpu.yield
    }) : () -> ()
    %iota3A = tpu.iota {dimensions = array<i32: 0>} : vector<16xi32>
    %broadcast_in_dim3A = arith.constant 0xFF800000 : f32
    %broadcast_in_dim3A_1 = vector.broadcast %broadcast_in_dim3A : f32 to vector<16xf32>
    %broadcast_in_dim3A_2 = arith.constant 0 : i32
    %broadcast_in_dim3A_3 = vector.broadcast %broadcast_in_dim3A_2 : i32 to vector<16xi32>
    %scan3A = arith.constant 0 : i32
    %scan3A_4 = arith.constant 256 : i32
    %scan3A_5 = arith.addi %scan3A, %scan3A_4 : i32
    %scan3A_6 = arith.constant 1 : i32
    %scan3A_7:2 = scf.for %scan3A_393 = %scan3A to %scan3A_5 step %scan3A_6 iter_args(%scan3A_394 = %broadcast_in_dim3A_1, %scan3A_395 = %broadcast_in_dim3A_3) -> (vector<16xf32>, vector<16xi32>)  : i32 {
      %mul3A_396 = arith.constant 16 : i32
      %mul3A_397 = arith.muli %scan3A_393, %mul3A_396 : i32
      %get3A_398 = arith.index_cast %mul3A_397 : i32 to index
      %get3A_399 = tpu.vector_load %arg5[%get3A_398] {strides = array<i32>} : memref<4096xf32, #tpu.memory_space<vmem>>, vector<16xf32>,
      %mul3A_400 = arith.constant 16 : i32
      %mul3A_401 = arith.muli %scan3A_393, %mul3A_400 : i32
      %add3A_402 = vector.broadcast %mul3A_401 : i32 to vector<16xi32>
      %add3A_403 = arith.addi %iota3A, %add3A_402 : vector<16xi32>
      %gt3A_404 = arith.cmpf ogt, %get3A_399, %scan3A_394 : vector<16xf32>
      %select_n3A_405 = arith.select %gt3A_404, %get3A_399, %scan3A_394 : vector<16xi1>, vector<16xf32>
      %select_n3A_406 = arith.select %gt3A_404, %add3A_403, %scan3A_395 : vector<16xi1>, vector<16xi32>
      scf.yield %select_n3A_405, %select_n3A_406 : vector<16xf32>, vector<16xi32>
    }
    %scan3A_8 = arith.constant 256 : i32
    %swap3A = arith.constant 0 : index
    %swap3A_9 = tpu.vector_load %arg9[%swap3A] {strides = array<i32>} : memref<128xf32, #tpu.memory_space<vmem>>, vector<16xf32>,
    tpu.vector_store %arg9[%swap3A], %scan3A_7#0 {strides = array<i32>} : memref<128xf32, #tpu.memory_space<vmem>>, vector<16xf32>,
    %swap3A_10 = arith.constant 0 : index
    %swap3A_11 = tpu.vector_load %arg10[%swap3A_10] {strides = array<i32>} : memref<128xi32, #tpu.memory_space<vmem>>, vector<16xi32>,
    tpu.vector_store %arg10[%swap3A_10], %scan3A_7#1 {strides = array<i32>} : memref<128xi32, #tpu.memory_space<vmem>>, vector<16xi32>,
    %add3A_12 = arith.constant 8 : i32
    %add3A_13 = vector.broadcast %add3A_12 : i32 to vector<16xi32>
    %add3A_14 = arith.addi %iota3A, %add3A_13 : vector<16xi32>
    %and3A = arith.constant 15 : i32
    %and3A_15 = vector.broadcast %and3A : i32 to vector<16xi32>
    %and3A_16 = arith.andi %add3A_14, %and3A_15 : vector<16xi32>
    %gather3A = tpu.vector_load_idx %arg9[%and3A_16] : memref<128xf32, #tpu.memory_space<vmem>>[vector<16xi32>], vector<16xf32>,
    %gather3A_17 = tpu.vector_load_idx %arg10[%and3A_16] : memref<128xi32, #tpu.memory_space<vmem>>[vector<16xi32>], vector<16xi32>,
    %get3A = arith.constant 0 : index
    %get3A_18 = tpu.vector_load %arg9[%get3A] {strides = array<i32>} : memref<128xf32, #tpu.memory_space<vmem>>, vector<16xf32>,
    %get3A_19 = arith.constant 0 : index
    %get3A_20 = tpu.vector_load %arg10[%get3A_19] {strides = array<i32>} : memref<128xi32, #tpu.memory_space<vmem>>, vector<16xi32>,
    %gt3A = arith.cmpf ogt, %gather3A, %get3A_18 : vector<16xf32>
    %eq3A = arith.cmpf oeq, %gather3A, %get3A_18 : vector<16xf32>
    %lt3A = arith.cmpi slt, %gather3A_17, %get3A_20 : vector<16xi32>
    %and3A_21 = arith.andi %eq3A, %lt3A : vector<16xi1>
    %or3A = arith.ori %gt3A, %and3A_21 : vector<16xi1>
    %select_n3A = arith.select %or3A, %gather3A, %get3A_18 : vector<16xi1>, vector<16xf32>
    %swap3A_22 = arith.constant 0 : index
    %swap3A_23 = tpu.vector_load %arg9[%swap3A_22] {strides = array<i32>} : memref<128xf32, #tpu.memory_space<vmem>>, vector<16xf32>,
    tpu.vector_store %arg9[%swap3A_22], %select_n3A {strides = array<i32>} : memref<128xf32, #tpu.memory_space<vmem>>, vector<16xf32>,
    %select_n3A_24 = arith.select %or3A, %gather3A_17, %get3A_20 : vector<16xi1>, vector<16xi32>
    %swap3A_25 = arith.constant 0 : index
    %swap3A_26 = tpu.vector_load %arg10[%swap3A_25] {strides = array<i32>} : memref<128xi32, #tpu.memory_space<vmem>>, vector<16xi32>,
    tpu.vector_store %arg10[%swap3A_25], %select_n3A_24 {strides = array<i32>} : memref<128xi32, #tpu.memory_space<vmem>>, vector<16xi32>,
    %add3A_27 = arith.constant 4 : i32
    %add3A_28 = vector.broadcast %add3A_27 : i32 to vector<16xi32>
    %add3A_29 = arith.addi %iota3A, %add3A_28 : vector<16xi32>
    %and3A_30 = arith.constant 15 : i32
    %and3A_31 = vector.broadcast %and3A_30 : i32 to vector<16xi32>
    %and3A_32 = arith.andi %add3A_29, %and3A_31 : vector<16xi32>
    %gather3A_33 = tpu.vector_load_idx %arg9[%and3A_32] : memref<128xf32, #tpu.memory_space<vmem>>[vector<16xi32>], vector<16xf32>,
    %gather3A_34 = tpu.vector_load_idx %arg10[%and3A_32] : memref<128xi32, #tpu.memory_space<vmem>>[vector<16xi32>], vector<16xi32>,
    %get3A_35 = arith.constant 0 : index
    %get3A_36 = tpu.vector_load %arg9[%get3A_35] {strides = array<i32>} : memref<128xf32, #tpu.memory_space<vmem>>, vector<16xf32>,
    %get3A_37 = arith.constant 0 : index
    %get3A_38 = tpu.vector_load %arg10[%get3A_37] {strides = array<i32>} : memref<128xi32, #tpu.memory_space<vmem>>, vector<16xi32>,
    %gt3A_39 = arith.cmpf ogt, %gather3A_33, %get3A_36 : vector<16xf32>
    %eq3A_40 = arith.cmpf oeq, %gather3A_33, %get3A_36 : vector<16xf32>
    %lt3A_41 = arith.cmpi slt, %gather3A_34, %get3A_38 : vector<16xi32>
    %and3A_42 = arith.andi %eq3A_40, %lt3A_41 : vector<16xi1>
    %or3A_43 = arith.ori %gt3A_39, %and3A_42 : vector<16xi1>
    %select_n3A_44 = arith.select %or3A_43, %gather3A_33, %get3A_36 : vector<16xi1>, vector<16xf32>
    %swap3A_45 = arith.constant 0 : index
    %swap3A_46 = tpu.vector_load %arg9[%swap3A_45] {strides = array<i32>} : memref<128xf32, #tpu.memory_space<vmem>>, vector<16xf32>,
    tpu.vector_store %arg9[%swap3A_45], %select_n3A_44 {strides = array<i32>} : memref<128xf32, #tpu.memory_space<vmem>>, vector<16xf32>,
    %select_n3A_47 = arith.select %or3A_43, %gather3A_34, %get3A_38 : vector<16xi1>, vector<16xi32>
    %swap3A_48 = arith.constant 0 : index
    %swap3A_49 = tpu.vector_load %arg10[%swap3A_48] {strides = array<i32>} : memref<128xi32, #tpu.memory_space<vmem>>, vector<16xi32>,
    tpu.vector_store %arg10[%swap3A_48], %select_n3A_47 {strides = array<i32>} : memref<128xi32, #tpu.memory_space<vmem>>, vector<16xi32>,
    %add3A_50 = arith.constant 2 : i32
    %add3A_51 = vector.broadcast %add3A_50 : i32 to vector<16xi32>
    %add3A_52 = arith.addi %iota3A, %add3A_51 : vector<16xi32>
    %and3A_53 = arith.constant 15 : i32
    %and3A_54 = vector.broadcast %and3A_53 : i32 to vector<16xi32>
    %and3A_55 = arith.andi %add3A_52, %and3A_54 : vector<16xi32>
    %gather3A_56 = tpu.vector_load_idx %arg9[%and3A_55] : memref<128xf32, #tpu.memory_space<vmem>>[vector<16xi32>], vector<16xf32>,
    %gather3A_57 = tpu.vector_load_idx %arg10[%and3A_55] : memref<128xi32, #tpu.memory_space<vmem>>[vector<16xi32>], vector<16xi32>,
    %get3A_58 = arith.constant 0 : index
    %get3A_59 = tpu.vector_load %arg9[%get3A_58] {strides = array<i32>} : memref<128xf32, #tpu.memory_space<vmem>>, vector<16xf32>,
    %get3A_60 = arith.constant 0 : index
    %get3A_61 = tpu.vector_load %arg10[%get3A_60] {strides = array<i32>} : memref<128xi32, #tpu.memory_space<vmem>>, vector<16xi32>,
    %gt3A_62 = arith.cmpf ogt, %gather3A_56, %get3A_59 : vector<16xf32>
    %eq3A_63 = arith.cmpf oeq, %gather3A_56, %get3A_59 : vector<16xf32>
    %lt3A_64 = arith.cmpi slt, %gather3A_57, %get3A_61 : vector<16xi32>
    %and3A_65 = arith.andi %eq3A_63, %lt3A_64 : vector<16xi1>
    %or3A_66 = arith.ori %gt3A_62, %and3A_65 : vector<16xi1>
    %select_n3A_67 = arith.select %or3A_66, %gather3A_56, %get3A_59 : vector<16xi1>, vector<16xf32>
    %swap3A_68 = arith.constant 0 : index
    %swap3A_69 = tpu.vector_load %arg9[%swap3A_68] {strides = array<i32>} : memref<128xf32, #tpu.memory_space<vmem>>, vector<16xf32>,
    tpu.vector_store %arg9[%swap3A_68], %select_n3A_67 {strides = array<i32>} : memref<128xf32, #tpu.memory_space<vmem>>, vector<16xf32>,
    %select_n3A_70 = arith.select %or3A_66, %gather3A_57, %get3A_61 : vector<16xi1>, vector<16xi32>
    %swap3A_71 = arith.constant 0 : index
    %swap3A_72 = tpu.vector_load %arg10[%swap3A_71] {strides = array<i32>} : memref<128xi32, #tpu.memory_space<vmem>>, vector<16xi32>,
    tpu.vector_store %arg10[%swap3A_71], %select_n3A_70 {strides = array<i32>} : memref<128xi32, #tpu.memory_space<vmem>>, vector<16xi32>,
    %add3A_73 = arith.constant 1 : i32
    %add3A_74 = vector.broadcast %add3A_73 : i32 to vector<16xi32>
    %add3A_75 = arith.addi %iota3A, %add3A_74 : vector<16xi32>
    %and3A_76 = arith.constant 15 : i32
    %and3A_77 = vector.broadcast %and3A_76 : i32 to vector<16xi32>
    %and3A_78 = arith.andi %add3A_75, %and3A_77 : vector<16xi32>
    %gather3A_79 = tpu.vector_load_idx %arg9[%and3A_78] : memref<128xf32, #tpu.memory_space<vmem>>[vector<16xi32>], vector<16xf32>,
    %gather3A_80 = tpu.vector_load_idx %arg10[%and3A_78] : memref<128xi32, #tpu.memory_space<vmem>>[vector<16xi32>], vector<16xi32>,
    %get3A_81 = arith.constant 0 : index
    %get3A_82 = tpu.vector_load %arg9[%get3A_81] {strides = array<i32>} : memref<128xf32, #tpu.memory_space<vmem>>, vector<16xf32>,
    %get3A_83 = arith.constant 0 : index
    %get3A_84 = tpu.vector_load %arg10[%get3A_83] {strides = array<i32>} : memref<128xi32, #tpu.memory_space<vmem>>, vector<16xi32>,
    %gt3A_85 = arith.cmpf ogt, %gather3A_79, %get3A_82 : vector<16xf32>
    %eq3A_86 = arith.cmpf oeq, %gather3A_79, %get3A_82 : vector<16xf32>
    %lt3A_87 = arith.cmpi slt, %gather3A_80, %get3A_84 : vector<16xi32>
    %and3A_88 = arith.andi %eq3A_86, %lt3A_87 : vector<16xi1>
    %or3A_89 = arith.ori %gt3A_85, %and3A_88 : vector<16xi1>
    %select_n3A_90 = arith.select %or3A_89, %gather3A_79, %get3A_82 : vector<16xi1>, vector<16xf32>
    %swap3A_91 = arith.constant 0 : index
    %swap3A_92 = tpu.vector_load %arg9[%swap3A_91] {strides = array<i32>} : memref<128xf32, #tpu.memory_space<vmem>>, vector<16xf32>,
    tpu.vector_store %arg9[%swap3A_91], %select_n3A_90 {strides = array<i32>} : memref<128xf32, #tpu.memory_space<vmem>>, vector<16xf32>,
    %select_n3A_93 = arith.select %or3A_89, %gather3A_80, %get3A_84 : vector<16xi1>, vector<16xi32>
    %swap3A_94 = arith.constant 0 : index
    %swap3A_95 = tpu.vector_load %arg10[%swap3A_94] {strides = array<i32>} : memref<128xi32, #tpu.memory_space<vmem>>, vector<16xi32>,
    tpu.vector_store %arg10[%swap3A_94], %select_n3A_93 {strides = array<i32>} : memref<128xi32, #tpu.memory_space<vmem>>, vector<16xi32>,
    %get3A_96 = arith.constant 0 : index
    %get3A_97 = tpu.vector_load %arg10[%get3A_96] {strides = array<i32>} : memref<128xi32, #tpu.memory_space<vmem>>, vector<16xi32>,
    %mul3A_98 = arith.constant 8192 : i32
    %mul3A_99 = arith.muli %add3A, %mul3A_98 : i32
    %jit3A = arith.constant 128 : i32
    %div3A = vector.broadcast %jit3A : i32 to vector<16xi32>
    %div3A_100 = arith.divsi %get3A_97, %div3A : vector<16xi32>
    %sign3A = arith.constant 0 : i32
    %sign3A_101 = vector.broadcast %sign3A : i32 to vector<16xi32>
    %sign3A_102 = arith.cmpi sgt, %get3A_97, %sign3A_101 : vector<16xi32>
    %sign3A_103 = arith.extui %sign3A_102 : vector<16xi1> to vector<16xi32>
    %sign3A_104 = arith.constant 0 : i32
    %sign3A_105 = vector.broadcast %sign3A_104 : i32 to vector<16xi32>
    %sign3A_106 = arith.cmpi slt, %get3A_97, %sign3A_105 : vector<16xi32>
    %sign3A_107 = arith.extui %sign3A_106 : vector<16xi1> to vector<16xi32>
    %sign3A_108 = arith.subi %sign3A_103, %sign3A_107 : vector<16xi32>
    %sign3A_109 = arith.constant 0 : i32
    %sign3A_110 = arith.cmpi sgt, %jit3A, %sign3A_109 : i32
    %sign3A_111 = arith.extui %sign3A_110 : i1 to i32
    %sign3A_112 = arith.constant 0 : i32
    %sign3A_113 = arith.cmpi slt, %jit3A, %sign3A_112 : i32
    %sign3A_114 = arith.extui %sign3A_113 : i1 to i32
    %sign3A_115 = arith.subi %sign3A_111, %sign3A_114 : i32
    %ne3A = vector.broadcast %sign3A_115 : i32 to vector<16xi32>
    %ne3A_116 = arith.cmpi ne, %sign3A_108, %ne3A : vector<16xi32>
    %rem3A = vector.broadcast %jit3A : i32 to vector<16xi32>
    %rem3A_117 = arith.remsi %get3A_97, %rem3A : vector<16xi32>
    %ne3A_118 = arith.constant 0 : i32
    %ne3A_119 = vector.broadcast %ne3A_118 : i32 to vector<16xi32>
    %ne3A_120 = arith.cmpi ne, %rem3A_117, %ne3A_119 : vector<16xi32>
    %and3A_121 = arith.andi %ne3A_116, %ne3A_120 : vector<16xi1>
    %sub3A = arith.constant 1 : i32
    %sub3A_122 = vector.broadcast %sub3A : i32 to vector<16xi32>
    %sub3A_123 = arith.subi %div3A_100, %sub3A_122 : vector<16xi32>
    %select_n3A_124 = arith.select %and3A_121, %sub3A_123, %div3A_100 : vector<16xi1>, vector<16xi32>
    %add3A_125 = vector.broadcast %mul3A_99 : i32 to vector<16xi32>
    %add3A_126 = arith.addi %add3A_125, %select_n3A_124 : vector<16xi32>
    %add3A_127 = arith.constant 0 : i32
    %add3A_128 = vector.broadcast %add3A_127 : i32 to vector<16xi32>
    %add3A_129 = arith.addi %iota3A, %add3A_128 : vector<16xi32>
    %mul3A_130 = arith.constant 32 : i32
    %mul3A_131 = vector.broadcast %mul3A_130 : i32 to vector<16xi32>
    %mul3A_132 = arith.muli %add3A_129, %mul3A_131 : vector<16xi32>
    %add3A_133 = arith.addi %add3A_126, %mul3A_132 : vector<16xi32>
    %swap3A_134 = arith.constant 0 : index
    %swap3A_135 = tpu.vector_load %arg6[%swap3A_134] {strides = array<i32>} : memref<256xi32, #tpu.memory_space<vmem>>, vector<16xi32>,
    tpu.vector_store %arg6[%swap3A_134], %add3A_133 {strides = array<i32>} : memref<256xi32, #tpu.memory_space<vmem>>, vector<16xi32>,
    %add3A_136 = arith.constant 16 : i32
    %add3A_137 = vector.broadcast %add3A_136 : i32 to vector<16xi32>
    %add3A_138 = arith.addi %iota3A, %add3A_137 : vector<16xi32>
    %mul3A_139 = arith.constant 32 : i32
    %mul3A_140 = vector.broadcast %mul3A_139 : i32 to vector<16xi32>
    %mul3A_141 = arith.muli %add3A_138, %mul3A_140 : vector<16xi32>
    %add3A_142 = arith.addi %add3A_126, %mul3A_141 : vector<16xi32>
    %swap3A_143 = arith.constant 16 : index
    %swap3A_144 = tpu.vector_load %arg6[%swap3A_143] {strides = array<i32>} : memref<256xi32, #tpu.memory_space<vmem>>, vector<16xi32>,
    tpu.vector_store %arg6[%swap3A_143], %add3A_142 {strides = array<i32>} : memref<256xi32, #tpu.memory_space<vmem>>, vector<16xi32>,
    %add3A_145 = arith.constant 32 : i32
    %add3A_146 = vector.broadcast %add3A_145 : i32 to vector<16xi32>
    %add3A_147 = arith.addi %iota3A, %add3A_146 : vector<16xi32>
    %mul3A_148 = arith.constant 32 : i32
    %mul3A_149 = vector.broadcast %mul3A_148 : i32 to vector<16xi32>
    %mul3A_150 = arith.muli %add3A_147, %mul3A_149 : vector<16xi32>
    %add3A_151 = arith.addi %add3A_126, %mul3A_150 : vector<16xi32>
    %swap3A_152 = arith.constant 32 : index
    %swap3A_153 = tpu.vector_load %arg6[%swap3A_152] {strides = array<i32>} : memref<256xi32, #tpu.memory_space<vmem>>, vector<16xi32>,
    tpu.vector_store %arg6[%swap3A_152], %add3A_151 {strides = array<i32>} : memref<256xi32, #tpu.memory_space<vmem>>, vector<16xi32>,
    %add3A_154 = arith.constant 48 : i32
    %add3A_155 = vector.broadcast %add3A_154 : i32 to vector<16xi32>
    %add3A_156 = arith.addi %iota3A, %add3A_155 : vector<16xi32>
    %mul3A_157 = arith.constant 32 : i32
    %mul3A_158 = vector.broadcast %mul3A_157 : i32 to vector<16xi32>
    %mul3A_159 = arith.muli %add3A_156, %mul3A_158 : vector<16xi32>
    %add3A_160 = arith.addi %add3A_126, %mul3A_159 : vector<16xi32>
    %swap3A_161 = arith.constant 48 : index
    %swap3A_162 = tpu.vector_load %arg6[%swap3A_161] {strides = array<i32>} : memref<256xi32, #tpu.memory_space<vmem>>, vector<16xi32>,
    tpu.vector_store %arg6[%swap3A_161], %add3A_160 {strides = array<i32>} : memref<256xi32, #tpu.memory_space<vmem>>, vector<16xi32>,
    %add3A_163 = arith.constant 64 : i32
    %add3A_164 = vector.broadcast %add3A_163 : i32 to vector<16xi32>
    %add3A_165 = arith.addi %iota3A, %add3A_164 : vector<16xi32>
    %mul3A_166 = arith.constant 32 : i32
    %mul3A_167 = vector.broadcast %mul3A_166 : i32 to vector<16xi32>
    %mul3A_168 = arith.muli %add3A_165, %mul3A_167 : vector<16xi32>
    %add3A_169 = arith.addi %add3A_126, %mul3A_168 : vector<16xi32>
    %swap3A_170 = arith.constant 64 : index
    %swap3A_171 = tpu.vector_load %arg6[%swap3A_170] {strides = array<i32>} : memref<256xi32, #tpu.memory_space<vmem>>, vector<16xi32>,
    tpu.vector_store %arg6[%swap3A_170], %add3A_169 {strides = array<i32>} : memref<256xi32, #tpu.memory_space<vmem>>, vector<16xi32>,
    %add3A_172 = arith.constant 80 : i32
    %add3A_173 = vector.broadcast %add3A_172 : i32 to vector<16xi32>
    %add3A_174 = arith.addi %iota3A, %add3A_173 : vector<16xi32>
    %mul3A_175 = arith.constant 32 : i32
    %mul3A_176 = vector.broadcast %mul3A_175 : i32 to vector<16xi32>
    %mul3A_177 = arith.muli %add3A_174, %mul3A_176 : vector<16xi32>
    %add3A_178 = arith.addi %add3A_126, %mul3A_177 : vector<16xi32>
    %swap3A_179 = arith.constant 80 : index
    %swap3A_180 = tpu.vector_load %arg6[%swap3A_179] {strides = array<i32>} : memref<256xi32, #tpu.memory_space<vmem>>, vector<16xi32>,
    tpu.vector_store %arg6[%swap3A_179], %add3A_178 {strides = array<i32>} : memref<256xi32, #tpu.memory_space<vmem>>, vector<16xi32>,
    %add3A_181 = arith.constant 96 : i32
    %add3A_182 = vector.broadcast %add3A_181 : i32 to vector<16xi32>
    %add3A_183 = arith.addi %iota3A, %add3A_182 : vector<16xi32>
    %mul3A_184 = arith.constant 32 : i32
    %mul3A_185 = vector.broadcast %mul3A_184 : i32 to vector<16xi32>
    %mul3A_186 = arith.muli %add3A_183, %mul3A_185 : vector<16xi32>
    %add3A_187 = arith.addi %add3A_126, %mul3A_186 : vector<16xi32>
    %swap3A_188 = arith.constant 96 : index
    %swap3A_189 = tpu.vector_load %arg6[%swap3A_188] {strides = array<i32>} : memref<256xi32, #tpu.memory_space<vmem>>, vector<16xi32>,
    tpu.vector_store %arg6[%swap3A_188], %add3A_187 {strides = array<i32>} : memref<256xi32, #tpu.memory_space<vmem>>, vector<16xi32>,
    %add3A_190 = arith.constant 112 : i32
    %add3A_191 = vector.broadcast %add3A_190 : i32 to vector<16xi32>
    %add3A_192 = arith.addi %iota3A, %add3A_191 : vector<16xi32>
    %mul3A_193 = arith.constant 32 : i32
    %mul3A_194 = vector.broadcast %mul3A_193 : i32 to vector<16xi32>
    %mul3A_195 = arith.muli %add3A_192, %mul3A_194 : vector<16xi32>
    %add3A_196 = arith.addi %add3A_126, %mul3A_195 : vector<16xi32>
    %swap3A_197 = arith.constant 112 : index
    %swap3A_198 = tpu.vector_load %arg6[%swap3A_197] {strides = array<i32>} : memref<256xi32, #tpu.memory_space<vmem>>, vector<16xi32>,
    tpu.vector_store %arg6[%swap3A_197], %add3A_196 {strides = array<i32>} : memref<256xi32, #tpu.memory_space<vmem>>, vector<16xi32>,
    %add3A_199 = arith.constant 128 : i32
    %add3A_200 = vector.broadcast %add3A_199 : i32 to vector<16xi32>
    %add3A_201 = arith.addi %iota3A, %add3A_200 : vector<16xi32>
    %mul3A_202 = arith.constant 32 : i32
    %mul3A_203 = vector.broadcast %mul3A_202 : i32 to vector<16xi32>
    %mul3A_204 = arith.muli %add3A_201, %mul3A_203 : vector<16xi32>
    %add3A_205 = arith.addi %add3A_126, %mul3A_204 : vector<16xi32>
    %swap3A_206 = arith.constant 128 : index
    %swap3A_207 = tpu.vector_load %arg6[%swap3A_206] {strides = array<i32>} : memref<256xi32, #tpu.memory_space<vmem>>, vector<16xi32>,
    tpu.vector_store %arg6[%swap3A_206], %add3A_205 {strides = array<i32>} : memref<256xi32, #tpu.memory_space<vmem>>, vector<16xi32>,
    %add3A_208 = arith.constant 144 : i32
    %add3A_209 = vector.broadcast %add3A_208 : i32 to vector<16xi32>
    %add3A_210 = arith.addi %iota3A, %add3A_209 : vector<16xi32>
    %mul3A_211 = arith.constant 32 : i32
    %mul3A_212 = vector.broadcast %mul3A_211 : i32 to vector<16xi32>
    %mul3A_213 = arith.muli %add3A_210, %mul3A_212 : vector<16xi32>
    %add3A_214 = arith.addi %add3A_126, %mul3A_213 : vector<16xi32>
    %swap3A_215 = arith.constant 144 : index
    %swap3A_216 = tpu.vector_load %arg6[%swap3A_215] {strides = array<i32>} : memref<256xi32, #tpu.memory_space<vmem>>, vector<16xi32>,
    tpu.vector_store %arg6[%swap3A_215], %add3A_214 {strides = array<i32>} : memref<256xi32, #tpu.memory_space<vmem>>, vector<16xi32>,
    %add3A_217 = arith.constant 160 : i32
    %add3A_218 = vector.broadcast %add3A_217 : i32 to vector<16xi32>
    %add3A_219 = arith.addi %iota3A, %add3A_218 : vector<16xi32>
    %mul3A_220 = arith.constant 32 : i32
    %mul3A_221 = vector.broadcast %mul3A_220 : i32 to vector<16xi32>
    %mul3A_222 = arith.muli %add3A_219, %mul3A_221 : vector<16xi32>
    %add3A_223 = arith.addi %add3A_126, %mul3A_222 : vector<16xi32>
    %swap3A_224 = arith.constant 160 : index
    %swap3A_225 = tpu.vector_load %arg6[%swap3A_224] {strides = array<i32>} : memref<256xi32, #tpu.memory_space<vmem>>, vector<16xi32>,
    tpu.vector_store %arg6[%swap3A_224], %add3A_223 {strides = array<i32>} : memref<256xi32, #tpu.memory_space<vmem>>, vector<16xi32>,
    %add3A_226 = arith.constant 176 : i32
    %add3A_227 = vector.broadcast %add3A_226 : i32 to vector<16xi32>
    %add3A_228 = arith.addi %iota3A, %add3A_227 : vector<16xi32>
    %mul3A_229 = arith.constant 32 : i32
    %mul3A_230 = vector.broadcast %mul3A_229 : i32 to vector<16xi32>
    %mul3A_231 = arith.muli %add3A_228, %mul3A_230 : vector<16xi32>
    %add3A_232 = arith.addi %add3A_126, %mul3A_231 : vector<16xi32>
    %swap3A_233 = arith.constant 176 : index
    %swap3A_234 = tpu.vector_load %arg6[%swap3A_233] {strides = array<i32>} : memref<256xi32, #tpu.memory_space<vmem>>, vector<16xi32>,
    tpu.vector_store %arg6[%swap3A_233], %add3A_232 {strides = array<i32>} : memref<256xi32, #tpu.memory_space<vmem>>, vector<16xi32>,
    %add3A_235 = arith.constant 192 : i32
    %add3A_236 = vector.broadcast %add3A_235 : i32 to vector<16xi32>
    %add3A_237 = arith.addi %iota3A, %add3A_236 : vector<16xi32>
    %mul3A_238 = arith.constant 32 : i32
    %mul3A_239 = vector.broadcast %mul3A_238 : i32 to vector<16xi32>
    %mul3A_240 = arith.muli %add3A_237, %mul3A_239 : vector<16xi32>
    %add3A_241 = arith.addi %add3A_126, %mul3A_240 : vector<16xi32>
    %swap3A_242 = arith.constant 192 : index
    %swap3A_243 = tpu.vector_load %arg6[%swap3A_242] {strides = array<i32>} : memref<256xi32, #tpu.memory_space<vmem>>, vector<16xi32>,
    tpu.vector_store %arg6[%swap3A_242], %add3A_241 {strides = array<i32>} : memref<256xi32, #tpu.memory_space<vmem>>, vector<16xi32>,
    %add3A_244 = arith.constant 208 : i32
    %add3A_245 = vector.broadcast %add3A_244 : i32 to vector<16xi32>
    %add3A_246 = arith.addi %iota3A, %add3A_245 : vector<16xi32>
    %mul3A_247 = arith.constant 32 : i32
    %mul3A_248 = vector.broadcast %mul3A_247 : i32 to vector<16xi32>
    %mul3A_249 = arith.muli %add3A_246, %mul3A_248 : vector<16xi32>
    %add3A_250 = arith.addi %add3A_126, %mul3A_249 : vector<16xi32>
    %swap3A_251 = arith.constant 208 : index
    %swap3A_252 = tpu.vector_load %arg6[%swap3A_251] {strides = array<i32>} : memref<256xi32, #tpu.memory_space<vmem>>, vector<16xi32>,
    tpu.vector_store %arg6[%swap3A_251], %add3A_250 {strides = array<i32>} : memref<256xi32, #tpu.memory_space<vmem>>, vector<16xi32>,
    %add3A_253 = arith.constant 224 : i32
    %add3A_254 = vector.broadcast %add3A_253 : i32 to vector<16xi32>
    %add3A_255 = arith.addi %iota3A, %add3A_254 : vector<16xi32>
    %mul3A_256 = arith.constant 32 : i32
    %mul3A_257 = vector.broadcast %mul3A_256 : i32 to vector<16xi32>
    %mul3A_258 = arith.muli %add3A_255, %mul3A_257 : vector<16xi32>
    %add3A_259 = arith.addi %add3A_126, %mul3A_258 : vector<16xi32>
    %swap3A_260 = arith.constant 224 : index
    %swap3A_261 = tpu.vector_load %arg6[%swap3A_260] {strides = array<i32>} : memref<256xi32, #tpu.memory_space<vmem>>, vector<16xi32>,
    tpu.vector_store %arg6[%swap3A_260], %add3A_259 {strides = array<i32>} : memref<256xi32, #tpu.memory_space<vmem>>, vector<16xi32>,
    %add3A_262 = arith.constant 240 : i32
    %add3A_263 = vector.broadcast %add3A_262 : i32 to vector<16xi32>
    %add3A_264 = arith.addi %iota3A, %add3A_263 : vector<16xi32>
    %mul3A_265 = arith.constant 32 : i32
    %mul3A_266 = vector.broadcast %mul3A_265 : i32 to vector<16xi32>
    %mul3A_267 = arith.muli %add3A_264, %mul3A_266 : vector<16xi32>
    %add3A_268 = arith.addi %add3A_126, %mul3A_267 : vector<16xi32>
    %swap3A_269 = arith.constant 240 : index
    %swap3A_270 = tpu.vector_load %arg6[%swap3A_269] {strides = array<i32>} : memref<256xi32, #tpu.memory_space<vmem>>, vector<16xi32>,
    tpu.vector_store %arg6[%swap3A_269], %add3A_268 {strides = array<i32>} : memref<256xi32, #tpu.memory_space<vmem>>, vector<16xi32>,
    %dma_start3A = arith.constant 0 : i32
    %dma_start3A_271 = arith.constant 0 : i32
    %dma_start3A_272 = tpu.memref_slice %arg3[%dma_start3A, %dma_start3A_271] : memref<262144x128xf32, #tpu.memory_space<hbm>> -> memref<262144x128xf32, #tpu.memory_space<hbm>>
    tpu.enqueue_indirect_dma source(%dma_start3A_272 : memref<262144x128xf32, #tpu.memory_space<hbm>>) target(%arg7 : memref<256x128xf32, #tpu.memory_space<vmem>>) offsets(%arg6 : memref<256xi32, #tpu.memory_space<vmem>>) semaphore(%arg11 : memref<!tpu.dma_semaphore, #tpu.memory_space<semaphore_mem>>)
    %dma_wait3A = arith.constant 0 : i32
    %dma_wait3A_273 = arith.constant 0 : i32
    %dma_wait3A_274 = tpu.memref_slice %arg3[%dma_wait3A, %dma_wait3A_273] : memref<262144x128xf32, #tpu.memory_space<hbm>> -> memref<262144x128xf32, #tpu.memory_space<hbm>>
    tpu.wait_indirect_dma semaphore(%arg11 : memref<!tpu.dma_semaphore, #tpu.memory_space<semaphore_mem>>) src(%dma_wait3A_274 : memref<262144x128xf32, #tpu.memory_space<hbm>>) dst(%arg7 : memref<256x128xf32, #tpu.memory_space<vmem>>)
    %jit3A_275 = arith.constant 128 : i32
    %eq3A_276 = arith.constant 0 : i32
    %eq3A_277 = arith.cmpi eq, %jit3A_275, %eq3A_276 : i32
    %jit3A_278 = arith.constant 1 : i32
    %select_n3A_279 = arith.select %eq3A_277, %jit3A_278, %jit3A_275 : i32
    %rem3A_280 = vector.broadcast %select_n3A_279 : i32 to vector<16xi32>
    %rem3A_281 = arith.remsi %get3A_97, %rem3A_280 : vector<16xi32>
    %ne3A_282 = arith.constant 0 : i32
    %ne3A_283 = vector.broadcast %ne3A_282 : i32 to vector<16xi32>
    %ne3A_284 = arith.cmpi ne, %rem3A_281, %ne3A_283 : vector<16xi32>
    %lt3A_285 = arith.constant 0 : i32
    %lt3A_286 = vector.broadcast %lt3A_285 : i32 to vector<16xi32>
    %lt3A_287 = arith.cmpi slt, %rem3A_281, %lt3A_286 : vector<16xi32>
    %lt3A_288 = arith.constant 0 : i32
    %lt3A_289 = arith.cmpi slt, %select_n3A_279, %lt3A_288 : i32
    %ne3A_290 = vector.broadcast %lt3A_289 : i1 to vector<16xi1>
    %ne3A_291 = vector.broadcast %ne3A_290 : vector<16xi1> to vector<16xi1>
    %ne3A_292 = arith.xori %lt3A_287, %ne3A_291 : vector<16xi1>
    %and3A_293 = arith.andi %ne3A_292, %ne3A_284 : vector<16xi1>
    %add3A_294 = vector.broadcast %select_n3A_279 : i32 to vector<16xi32>
    %add3A_295 = arith.addi %rem3A_281, %add3A_294 : vector<16xi32>
    %select_n3A_296 = arith.select %and3A_293, %add3A_295, %rem3A_281 : vector<16xi1>, vector<16xi32>
    %add3A_297 = arith.constant 0 : i32
    %add3A_298 = vector.broadcast %add3A_297 : i32 to vector<16xi32>
    %add3A_299 = arith.addi %iota3A, %add3A_298 : vector<16xi32>
    %gather3A_300 = tpu.vector_load_idx %arg7[%add3A_299, %select_n3A_296] : memref<256x128xf32, #tpu.memory_space<vmem>>[vector<16xi32>, vector<16xi32>], vector<16xf32>,
    %swap3A_301 = arith.constant 0 : index
    %swap3A_302 = tpu.vector_load %arg8[%swap3A_301] {strides = array<i32>} : memref<256xf32, #tpu.memory_space<vmem>>, vector<16xf32>,
    tpu.vector_store %arg8[%swap3A_301], %gather3A_300 {strides = array<i32>} : memref<256xf32, #tpu.memory_space<vmem>>, vector<16xf32>,
    %add3A_303 = arith.constant 16 : i32
    %add3A_304 = vector.broadcast %add3A_303 : i32 to vector<16xi32>
    %add3A_305 = arith.addi %iota3A, %add3A_304 : vector<16xi32>
    %gather3A_306 = tpu.vector_load_idx %arg7[%add3A_305, %select_n3A_296] : memref<256x128xf32, #tpu.memory_space<vmem>>[vector<16xi32>, vector<16xi32>], vector<16xf32>,
    %swap3A_307 = arith.constant 16 : index
    %swap3A_308 = tpu.vector_load %arg8[%swap3A_307] {strides = array<i32>} : memref<256xf32, #tpu.memory_space<vmem>>, vector<16xf32>,
    tpu.vector_store %arg8[%swap3A_307], %gather3A_306 {strides = array<i32>} : memref<256xf32, #tpu.memory_space<vmem>>, vector<16xf32>,
    %add3A_309 = arith.constant 32 : i32
    %add3A_310 = vector.broadcast %add3A_309 : i32 to vector<16xi32>
    %add3A_311 = arith.addi %iota3A, %add3A_310 : vector<16xi32>
    %gather3A_312 = tpu.vector_load_idx %arg7[%add3A_311, %select_n3A_296] : memref<256x128xf32, #tpu.memory_space<vmem>>[vector<16xi32>, vector<16xi32>], vector<16xf32>,
    %swap3A_313 = arith.constant 32 : index
    %swap3A_314 = tpu.vector_load %arg8[%swap3A_313] {strides = array<i32>} : memref<256xf32, #tpu.memory_space<vmem>>, vector<16xf32>,
    tpu.vector_store %arg8[%swap3A_313], %gather3A_312 {strides = array<i32>} : memref<256xf32, #tpu.memory_space<vmem>>, vector<16xf32>,
    %add3A_315 = arith.constant 48 : i32
    %add3A_316 = vector.broadcast %add3A_315 : i32 to vector<16xi32>
    %add3A_317 = arith.addi %iota3A, %add3A_316 : vector<16xi32>
    %gather3A_318 = tpu.vector_load_idx %arg7[%add3A_317, %select_n3A_296] : memref<256x128xf32, #tpu.memory_space<vmem>>[vector<16xi32>, vector<16xi32>], vector<16xf32>,
    %swap3A_319 = arith.constant 48 : index
    %swap3A_320 = tpu.vector_load %arg8[%swap3A_319] {strides = array<i32>} : memref<256xf32, #tpu.memory_space<vmem>>, vector<16xf32>,
    tpu.vector_store %arg8[%swap3A_319], %gather3A_318 {strides = array<i32>} : memref<256xf32, #tpu.memory_space<vmem>>, vector<16xf32>,
    %add3A_321 = arith.constant 64 : i32
    %add3A_322 = vector.broadcast %add3A_321 : i32 to vector<16xi32>
    %add3A_323 = arith.addi %iota3A, %add3A_322 : vector<16xi32>
    %gather3A_324 = tpu.vector_load_idx %arg7[%add3A_323, %select_n3A_296] : memref<256x128xf32, #tpu.memory_space<vmem>>[vector<16xi32>, vector<16xi32>], vector<16xf32>,
    %swap3A_325 = arith.constant 64 : index
    %swap3A_326 = tpu.vector_load %arg8[%swap3A_325] {strides = array<i32>} : memref<256xf32, #tpu.memory_space<vmem>>, vector<16xf32>,
    tpu.vector_store %arg8[%swap3A_325], %gather3A_324 {strides = array<i32>} : memref<256xf32, #tpu.memory_space<vmem>>, vector<16xf32>,
    %add3A_327 = arith.constant 80 : i32
    %add3A_328 = vector.broadcast %add3A_327 : i32 to vector<16xi32>
    %add3A_329 = arith.addi %iota3A, %add3A_328 : vector<16xi32>
    %gather3A_330 = tpu.vector_load_idx %arg7[%add3A_329, %select_n3A_296] : memref<256x128xf32, #tpu.memory_space<vmem>>[vector<16xi32>, vector<16xi32>], vector<16xf32>,
    %swap3A_331 = arith.constant 80 : index
    %swap3A_332 = tpu.vector_load %arg8[%swap3A_331] {strides = array<i32>} : memref<256xf32, #tpu.memory_space<vmem>>, vector<16xf32>,
    tpu.vector_store %arg8[%swap3A_331], %gather3A_330 {strides = array<i32>} : memref<256xf32, #tpu.memory_space<vmem>>, vector<16xf32>,
    %add3A_333 = arith.constant 96 : i32
    %add3A_334 = vector.broadcast %add3A_333 : i32 to vector<16xi32>
    %add3A_335 = arith.addi %iota3A, %add3A_334 : vector<16xi32>
    %gather3A_336 = tpu.vector_load_idx %arg7[%add3A_335, %select_n3A_296] : memref<256x128xf32, #tpu.memory_space<vmem>>[vector<16xi32>, vector<16xi32>], vector<16xf32>,
    %swap3A_337 = arith.constant 96 : index
    %swap3A_338 = tpu.vector_load %arg8[%swap3A_337] {strides = array<i32>} : memref<256xf32, #tpu.memory_space<vmem>>, vector<16xf32>,
    tpu.vector_store %arg8[%swap3A_337], %gather3A_336 {strides = array<i32>} : memref<256xf32, #tpu.memory_space<vmem>>, vector<16xf32>,
    %add3A_339 = arith.constant 112 : i32
    %add3A_340 = vector.broadcast %add3A_339 : i32 to vector<16xi32>
    %add3A_341 = arith.addi %iota3A, %add3A_340 : vector<16xi32>
    %gather3A_342 = tpu.vector_load_idx %arg7[%add3A_341, %select_n3A_296] : memref<256x128xf32, #tpu.memory_space<vmem>>[vector<16xi32>, vector<16xi32>], vector<16xf32>,
    %swap3A_343 = arith.constant 112 : index
    %swap3A_344 = tpu.vector_load %arg8[%swap3A_343] {strides = array<i32>} : memref<256xf32, #tpu.memory_space<vmem>>, vector<16xf32>,
    tpu.vector_store %arg8[%swap3A_343], %gather3A_342 {strides = array<i32>} : memref<256xf32, #tpu.memory_space<vmem>>, vector<16xf32>,
    %add3A_345 = arith.constant 128 : i32
    %add3A_346 = vector.broadcast %add3A_345 : i32 to vector<16xi32>
    %add3A_347 = arith.addi %iota3A, %add3A_346 : vector<16xi32>
    %gather3A_348 = tpu.vector_load_idx %arg7[%add3A_347, %select_n3A_296] : memref<256x128xf32, #tpu.memory_space<vmem>>[vector<16xi32>, vector<16xi32>], vector<16xf32>,
    %swap3A_349 = arith.constant 128 : index
    %swap3A_350 = tpu.vector_load %arg8[%swap3A_349] {strides = array<i32>} : memref<256xf32, #tpu.memory_space<vmem>>, vector<16xf32>,
    tpu.vector_store %arg8[%swap3A_349], %gather3A_348 {strides = array<i32>} : memref<256xf32, #tpu.memory_space<vmem>>, vector<16xf32>,
    %add3A_351 = arith.constant 144 : i32
    %add3A_352 = vector.broadcast %add3A_351 : i32 to vector<16xi32>
    %add3A_353 = arith.addi %iota3A, %add3A_352 : vector<16xi32>
    %gather3A_354 = tpu.vector_load_idx %arg7[%add3A_353, %select_n3A_296] : memref<256x128xf32, #tpu.memory_space<vmem>>[vector<16xi32>, vector<16xi32>], vector<16xf32>,
    %swap3A_355 = arith.constant 144 : index
    %swap3A_356 = tpu.vector_load %arg8[%swap3A_355] {strides = array<i32>} : memref<256xf32, #tpu.memory_space<vmem>>, vector<16xf32>,
    tpu.vector_store %arg8[%swap3A_355], %gather3A_354 {strides = array<i32>} : memref<256xf32, #tpu.memory_space<vmem>>, vector<16xf32>,
    %add3A_357 = arith.constant 160 : i32
    %add3A_358 = vector.broadcast %add3A_357 : i32 to vector<16xi32>
    %add3A_359 = arith.addi %iota3A, %add3A_358 : vector<16xi32>
    %gather3A_360 = tpu.vector_load_idx %arg7[%add3A_359, %select_n3A_296] : memref<256x128xf32, #tpu.memory_space<vmem>>[vector<16xi32>, vector<16xi32>], vector<16xf32>,
    %swap3A_361 = arith.constant 160 : index
    %swap3A_362 = tpu.vector_load %arg8[%swap3A_361] {strides = array<i32>} : memref<256xf32, #tpu.memory_space<vmem>>, vector<16xf32>,
    tpu.vector_store %arg8[%swap3A_361], %gather3A_360 {strides = array<i32>} : memref<256xf32, #tpu.memory_space<vmem>>, vector<16xf32>,
    %add3A_363 = arith.constant 176 : i32
    %add3A_364 = vector.broadcast %add3A_363 : i32 to vector<16xi32>
    %add3A_365 = arith.addi %iota3A, %add3A_364 : vector<16xi32>
    %gather3A_366 = tpu.vector_load_idx %arg7[%add3A_365, %select_n3A_296] : memref<256x128xf32, #tpu.memory_space<vmem>>[vector<16xi32>, vector<16xi32>], vector<16xf32>,
    %swap3A_367 = arith.constant 176 : index
    %swap3A_368 = tpu.vector_load %arg8[%swap3A_367] {strides = array<i32>} : memref<256xf32, #tpu.memory_space<vmem>>, vector<16xf32>,
    tpu.vector_store %arg8[%swap3A_367], %gather3A_366 {strides = array<i32>} : memref<256xf32, #tpu.memory_space<vmem>>, vector<16xf32>,
    %add3A_369 = arith.constant 192 : i32
    %add3A_370 = vector.broadcast %add3A_369 : i32 to vector<16xi32>
    %add3A_371 = arith.addi %iota3A, %add3A_370 : vector<16xi32>
    %gather3A_372 = tpu.vector_load_idx %arg7[%add3A_371, %select_n3A_296] : memref<256x128xf32, #tpu.memory_space<vmem>>[vector<16xi32>, vector<16xi32>], vector<16xf32>,
    %swap3A_373 = arith.constant 192 : index
    %swap3A_374 = tpu.vector_load %arg8[%swap3A_373] {strides = array<i32>} : memref<256xf32, #tpu.memory_space<vmem>>, vector<16xf32>,
    tpu.vector_store %arg8[%swap3A_373], %gather3A_372 {strides = array<i32>} : memref<256xf32, #tpu.memory_space<vmem>>, vector<16xf32>,
    %add3A_375 = arith.constant 208 : i32
    %add3A_376 = vector.broadcast %add3A_375 : i32 to vector<16xi32>
    %add3A_377 = arith.addi %iota3A, %add3A_376 : vector<16xi32>
    %gather3A_378 = tpu.vector_load_idx %arg7[%add3A_377, %select_n3A_296] : memref<256x128xf32, #tpu.memory_space<vmem>>[vector<16xi32>, vector<16xi32>], vector<16xf32>,
    %swap3A_379 = arith.constant 208 : index
    %swap3A_380 = tpu.vector_load %arg8[%swap3A_379] {strides = array<i32>} : memref<256xf32, #tpu.memory_space<vmem>>, vector<16xf32>,
    tpu.vector_store %arg8[%swap3A_379], %gather3A_378 {strides = array<i32>} : memref<256xf32, #tpu.memory_space<vmem>>, vector<16xf32>,
    %add3A_381 = arith.constant 224 : i32
    %add3A_382 = vector.broadcast %add3A_381 : i32 to vector<16xi32>
    %add3A_383 = arith.addi %iota3A, %add3A_382 : vector<16xi32>
    %gather3A_384 = tpu.vector_load_idx %arg7[%add3A_383, %select_n3A_296] : memref<256x128xf32, #tpu.memory_space<vmem>>[vector<16xi32>, vector<16xi32>], vector<16xf32>,
    %swap3A_385 = arith.constant 224 : index
    %swap3A_386 = tpu.vector_load %arg8[%swap3A_385] {strides = array<i32>} : memref<256xf32, #tpu.memory_space<vmem>>, vector<16xf32>,
    tpu.vector_store %arg8[%swap3A_385], %gather3A_384 {strides = array<i32>} : memref<256xf32, #tpu.memory_space<vmem>>, vector<16xf32>,
    %add3A_387 = arith.constant 240 : i32
    %add3A_388 = vector.broadcast %add3A_387 : i32 to vector<16xi32>
    %add3A_389 = arith.addi %iota3A, %add3A_388 : vector<16xi32>
    %gather3A_390 = tpu.vector_load_idx %arg7[%add3A_389, %select_n3A_296] : memref<256x128xf32, #tpu.memory_space<vmem>>[vector<16xi32>, vector<16xi32>], vector<16xf32>,
    %swap3A_391 = arith.constant 240 : index
    %swap3A_392 = tpu.vector_load %arg8[%swap3A_391] {strides = array<i32>} : memref<256xf32, #tpu.memory_space<vmem>>, vector<16xf32>,
    tpu.vector_store %arg8[%swap3A_391], %gather3A_390 {strides = array<i32>} : memref<256xf32, #tpu.memory_space<vmem>>, vector<16xf32>,
    "tpu.region"() ({
      %run_scoped3A = tpu.sem_alloc : memref<!tpu.dma_semaphore, #tpu.memory_space<semaphore_mem>>
      %dma_start3A_393 = arith.constant 0 : i32
      %dma_start3A_394 = tpu.memref_slice %arg4[%add3A, %dma_start3A_393] : memref<32x256xf32, #tpu.memory_space<hbm>> -> memref<1x256xf32, #tpu.memory_space<hbm>>
      %dma_start3A_395 = tpu.memref_squeeze %dma_start3A_394 : memref<1x256xf32, #tpu.memory_space<hbm>> -> memref<256xf32, #tpu.memory_space<hbm>>
      %dma_start3A_396 = arith.constant 0 : i32
      %dma_start3A_397 = tpu.memref_slice %arg4[%add3A, %dma_start3A_396] : memref<32x256xf32, #tpu.memory_space<hbm>> -> memref<1x256xf32, #tpu.memory_space<hbm>>
      %dma_start3A_398 = tpu.memref_squeeze %dma_start3A_397 : memref<1x256xf32, #tpu.memory_space<hbm>> -> memref<256xf32, #tpu.memory_space<hbm>>
      tpu.enqueue_dma source(%arg8 : memref<256xf32, #tpu.memory_space<vmem>>) target(%dma_start3A_398 : memref<256xf32, #tpu.memory_space<hbm>>) target_semaphore(%run_scoped3A : memref<!tpu.dma_semaphore, #tpu.memory_space<semaphore_mem>>)
      %dma_wait3A_399 = arith.constant 0 : i32
      %dma_wait3A_400 = tpu.memref_slice %arg4[%add3A, %dma_wait3A_399] : memref<32x256xf32, #tpu.memory_space<hbm>> -> memref<1x256xf32, #tpu.memory_space<hbm>>
      %dma_wait3A_401 = tpu.memref_squeeze %dma_wait3A_400 : memref<1x256xf32, #tpu.memory_space<hbm>> -> memref<256xf32, #tpu.memory_space<hbm>>
      %dma_wait3A_402 = arith.constant 0 : i32
      %dma_wait3A_403 = tpu.memref_slice %arg4[%add3A, %dma_wait3A_402] : memref<32x256xf32, #tpu.memory_space<hbm>> -> memref<1x256xf32, #tpu.memory_space<hbm>>
      %dma_wait3A_404 = tpu.memref_squeeze %dma_wait3A_403 : memref<1x256xf32, #tpu.memory_space<hbm>> -> memref<256xf32, #tpu.memory_space<hbm>>
      tpu.wait_dma2 semaphore(%run_scoped3A : memref<!tpu.dma_semaphore, #tpu.memory_space<semaphore_mem>>) src(%arg8 : memref<256xf32, #tpu.memory_space<vmem>>) dst(%dma_wait3A_404 : memref<256xf32, #tpu.memory_space<hbm>>)
      tpu.yield
    }) : () -> ()
    return
  }
}

module attributes {stable_mosaic.version = 14 : i64} {
  func.func @_loss_kernel(%arg0: i32, %arg1: memref<1x256x4096xf32, #tpu.memory_space<vmem>>, %arg2: memref<1x256x4096xf32, #tpu.memory_space<vmem>>, %arg3: memref<1x1x4096xf32, #tpu.memory_space<vmem>>, %arg4: memref<1x1x4096xf32, #tpu.memory_space<vmem>>, %arg5: memref<32x256xf32, #tpu.memory_space<vmem>>, %arg6: memref<1x1xf32, #tpu.memory_space<vmem>>, %arg7: memref<32x128xf32, #tpu.memory_space<vmem>>) attributes {dimension_semantics = [#tpu.dimension_semantics<arbitrary>], iteration_bounds = array<i64: 16>, scalar_prefetch = 0 : i64, scratch_operands = 1 : i64, tpu.core_type = #tpu.core_type<tc>, window_params = [{transform_indices = @transform_0, window_bounds = array<i64: 1, 256, 4096>}, {transform_indices = @transform_1, window_bounds = array<i64: 1, 256, 4096>}, {transform_indices = @transform_2, window_bounds = array<i64: 1, 1, 4096>}, {transform_indices = @transform_3, window_bounds = array<i64: 1, 1, 4096>}, {pipeline_mode = #tpu.pipeline_mode<synchronous>, transform_indices = @transform_4, window_bounds = array<i64: 32, 256>}, {pipeline_mode = #tpu.pipeline_mode<synchronous>, transform_indices = @transform_5, window_bounds = array<i64: 1, 1>}]} {
    %eq3A = arith.constant 0 : i32
    %eq3A_0 = arith.cmpi eq, %arg0, %eq3A : i32
    %convert_element_type3A = arith.extui %eq3A_0 : i1 to i32
    %cond3A = arith.constant 0 : i32
    %cond3A_1 = arith.cmpi ne, %convert_element_type3A, %cond3A : i32
    scf.if %cond3A_1 {
      %broadcast_in_dim3A_106 = arith.constant 0.000000e+00 : f32
      %broadcast_in_dim3A_107 = vector.broadcast %broadcast_in_dim3A_106 : f32 to vector<32x128xf32>
      %swap3A_108 = arith.constant 0 : index
      %swap3A_109 = arith.constant 0 : index
      %swap3A_110 = vector.load %arg7[%swap3A_108, %swap3A_109] : memref<32x128xf32, #tpu.memory_space<vmem>>, vector<32x128xf32>
      tpu.vector_store %arg7[%swap3A_108, %swap3A_109], %broadcast_in_dim3A_107 {strides = array<i32>} : memref<32x128xf32, #tpu.memory_space<vmem>>, vector<32x128xf32>,
    } else {
    }
    %get3A = arith.constant 0 : index
    %get3A_2 = arith.constant 0 : index
    %get3A_3 = vector.load %arg5[%get3A, %get3A_2] : memref<32x256xf32, #tpu.memory_space<vmem>>, vector<32x256xf32>
    %mul3A = arith.mulf %get3A_3, %get3A_3 : vector<32x256xf32>
    %reduce_sum3A = arith.constant dense<0.000000e+00> : vector<32xf32>
    %reduce_sum3A_4 = vector.multi_reduction <add>, %mul3A, %reduce_sum3A [1] : vector<32x256xf32> to vector<32xf32>
    %broadcast_in_dim3A = vector.shape_cast %reduce_sum3A_4 : vector<32xf32> to vector<32x1xf32>
    %sqrt3A = math.sqrt %broadcast_in_dim3A : vector<32x1xf32>
    %max3A = arith.constant 9.99999996E-13 : f32
    %max3A_5 = vector.broadcast %max3A : f32 to vector<32x1xf32>
    %max3A_6 = arith.maximumf %sqrt3A, %max3A_5 : vector<32x1xf32>
    %div3A = vector.broadcast %max3A_6 : vector<32x1xf32> to vector<32x256xf32>
    %div3A_7 = arith.divf %get3A_3, %div3A : vector<32x256xf32>
    %iota3A = tpu.iota {dimensions = array<i32: 0>} : vector<32x1xi32>
    %add3A = arith.constant 16 : i32
    %add3A_8 = arith.addi %arg0, %add3A : i32
    %get3A_9 = arith.constant 0 : index
    %get3A_10 = arith.constant 0 : index
    %get3A_11 = arith.constant 0 : index
    %get3A_12 = vector.load %arg1[%get3A_9, %get3A_10, %get3A_11] : memref<1x256x4096xf32, #tpu.memory_space<vmem>>, vector<1x256x4096xf32>
    %get3A_13 = vector.shape_cast %get3A_12 : vector<1x256x4096xf32> to vector<256x4096xf32>
    %dot_general3A = arith.constant dense<0.000000e+00> : vector<32x4096xf32>
    %dot_general3A_14 = tpu.matmul %div3A_7, %get3A_13, %dot_general3A {dimension_numbers = #tpu.dot_dimension_numbers<[1], [0], [0], [1], [0, 0, 1, 1], [], []>, transpose_lhs_hint = false} : vector<32x256xf32>, vector<256x4096xf32>, vector<32x4096xf32> -> vector<32x4096xf32>
    %mul3A_15 = arith.mulf %get3A_13, %get3A_13 : vector<256x4096xf32>
    %reduce_sum3A_16 = arith.constant dense<0.000000e+00> : vector<4096xf32>
    %reduce_sum3A_17 = vector.multi_reduction <add>, %mul3A_15, %reduce_sum3A_16 [0] : vector<256x4096xf32> to vector<4096xf32>
    %broadcast_in_dim3A_18 = vector.shape_cast %reduce_sum3A_17 : vector<4096xf32> to vector<1x4096xf32>
    %sqrt3A_19 = math.sqrt %broadcast_in_dim3A_18 : vector<1x4096xf32>
    %max3A_20 = arith.constant 9.99999996E-13 : f32
    %max3A_21 = vector.broadcast %max3A_20 : f32 to vector<1x4096xf32>
    %max3A_22 = arith.maximumf %sqrt3A_19, %max3A_21 : vector<1x4096xf32>
    %mul3A_23 = arith.constant 1.000000e-01 : f32
    %mul3A_24 = vector.broadcast %mul3A_23 : f32 to vector<1x4096xf32>
    %mul3A_25 = arith.mulf %max3A_22, %mul3A_24 : vector<1x4096xf32>
    %div3A_26 = vector.broadcast %mul3A_25 : vector<1x4096xf32> to vector<32x4096xf32>
    %div3A_27 = arith.divf %dot_general3A_14, %div3A_26 : vector<32x4096xf32>
    %exp3A = math.exp %div3A_27 : vector<32x4096xf32>
    %get3A_28 = arith.constant 0 : index
    %get3A_29 = arith.constant 0 : index
    %get3A_30 = arith.constant 0 : index
    %get3A_31 = vector.load %arg3[%get3A_28, %get3A_29, %get3A_30] : memref<1x1x4096xf32, #tpu.memory_space<vmem>>, vector<1x1x4096xf32>
    %get3A_32 = vector.shape_cast %get3A_31 : vector<1x1x4096xf32> to vector<1x4096xf32>
    %eq3A_33 = vector.broadcast %arg0 : i32 to vector<32x1xi32>
    %eq3A_34 = arith.cmpi eq, %iota3A, %eq3A_33 : vector<32x1xi32>
    %gt3A = arith.constant 5.000000e-01 : f32
    %gt3A_35 = vector.broadcast %gt3A : f32 to vector<1x4096xf32>
    %gt3A_36 = arith.cmpf ogt, %get3A_32, %gt3A_35 : vector<1x4096xf32>
    %and3A = vector.broadcast %eq3A_34 : vector<32x1xi1> to vector<32x4096xi1>
    %and3A_37 = vector.broadcast %gt3A_36 : vector<1x4096xi1> to vector<32x4096xi1>
    %and3A_38 = arith.andi %and3A, %and3A_37 : vector<32x4096xi1>
    %jit3A = arith.constant 0.000000e+00 : f32
    %jit3A_39 = arith.constant 1.000000e+00 : f32
    %broadcast_in_dim3A_40 = vector.broadcast %jit3A : f32 to vector<32x4096xf32>
    %broadcast_in_dim3A_41 = vector.broadcast %jit3A_39 : f32 to vector<32x4096xf32>
    %select_n3A = arith.select %and3A_38, %broadcast_in_dim3A_40, %broadcast_in_dim3A_41 : vector<32x4096xi1>, vector<32x4096xf32>
    %mul3A_42 = arith.mulf %exp3A, %select_n3A : vector<32x4096xf32>
    %get3A_43 = arith.constant 0 : index
    %get3A_44 = arith.constant 0 : index
    %get3A_45 = vector.load %arg7[%get3A_43, %get3A_44] : memref<32x128xf32, #tpu.memory_space<vmem>>, vector<32x128xf32>
    %reshape3A = vector.shape_cast %mul3A_42 : vector<32x4096xf32> to vector<32x32x128xf32>
    %reduce_sum3A_46 = arith.constant dense<0.000000e+00> : vector<32x128xf32>
    %reduce_sum3A_47 = vector.multi_reduction <add>, %reshape3A, %reduce_sum3A_46 [1] : vector<32x32x128xf32> to vector<32x128xf32>
    %add3A_48 = arith.addf %get3A_45, %reduce_sum3A_47 : vector<32x128xf32>
    %swap3A = arith.constant 0 : index
    %swap3A_49 = arith.constant 0 : index
    %swap3A_50 = vector.load %arg7[%swap3A, %swap3A_49] : memref<32x128xf32, #tpu.memory_space<vmem>>, vector<32x128xf32>
    tpu.vector_store %arg7[%swap3A, %swap3A_49], %add3A_48 {strides = array<i32>} : memref<32x128xf32, #tpu.memory_space<vmem>>, vector<32x128xf32>,
    %get3A_51 = arith.constant 0 : index
    %get3A_52 = arith.constant 0 : index
    %get3A_53 = arith.constant 0 : index
    %get3A_54 = vector.load %arg2[%get3A_51, %get3A_52, %get3A_53] : memref<1x256x4096xf32, #tpu.memory_space<vmem>>, vector<1x256x4096xf32>
    %get3A_55 = vector.shape_cast %get3A_54 : vector<1x256x4096xf32> to vector<256x4096xf32>
    %dot_general3A_56 = arith.constant dense<0.000000e+00> : vector<32x4096xf32>
    %dot_general3A_57 = tpu.matmul %div3A_7, %get3A_55, %dot_general3A_56 {dimension_numbers = #tpu.dot_dimension_numbers<[1], [0], [0], [1], [0, 0, 1, 1], [], []>, transpose_lhs_hint = false} : vector<32x256xf32>, vector<256x4096xf32>, vector<32x4096xf32> -> vector<32x4096xf32>
    %mul3A_58 = arith.mulf %get3A_55, %get3A_55 : vector<256x4096xf32>
    %reduce_sum3A_59 = arith.constant dense<0.000000e+00> : vector<4096xf32>
    %reduce_sum3A_60 = vector.multi_reduction <add>, %mul3A_58, %reduce_sum3A_59 [0] : vector<256x4096xf32> to vector<4096xf32>
    %broadcast_in_dim3A_61 = vector.shape_cast %reduce_sum3A_60 : vector<4096xf32> to vector<1x4096xf32>
    %sqrt3A_62 = math.sqrt %broadcast_in_dim3A_61 : vector<1x4096xf32>
    %max3A_63 = arith.constant 9.99999996E-13 : f32
    %max3A_64 = vector.broadcast %max3A_63 : f32 to vector<1x4096xf32>
    %max3A_65 = arith.maximumf %sqrt3A_62, %max3A_64 : vector<1x4096xf32>
    %mul3A_66 = arith.constant 1.000000e-01 : f32
    %mul3A_67 = vector.broadcast %mul3A_66 : f32 to vector<1x4096xf32>
    %mul3A_68 = arith.mulf %max3A_65, %mul3A_67 : vector<1x4096xf32>
    %div3A_69 = vector.broadcast %mul3A_68 : vector<1x4096xf32> to vector<32x4096xf32>
    %div3A_70 = arith.divf %dot_general3A_57, %div3A_69 : vector<32x4096xf32>
    %exp3A_71 = math.exp %div3A_70 : vector<32x4096xf32>
    %get3A_72 = arith.constant 0 : index
    %get3A_73 = arith.constant 0 : index
    %get3A_74 = arith.constant 0 : index
    %get3A_75 = vector.load %arg4[%get3A_72, %get3A_73, %get3A_74] : memref<1x1x4096xf32, #tpu.memory_space<vmem>>, vector<1x1x4096xf32>
    %get3A_76 = vector.shape_cast %get3A_75 : vector<1x1x4096xf32> to vector<1x4096xf32>
    %eq3A_77 = vector.broadcast %add3A_8 : i32 to vector<32x1xi32>
    %eq3A_78 = arith.cmpi eq, %iota3A, %eq3A_77 : vector<32x1xi32>
    %gt3A_79 = arith.constant 5.000000e-01 : f32
    %gt3A_80 = vector.broadcast %gt3A_79 : f32 to vector<1x4096xf32>
    %gt3A_81 = arith.cmpf ogt, %get3A_76, %gt3A_80 : vector<1x4096xf32>
    %and3A_82 = vector.broadcast %eq3A_78 : vector<32x1xi1> to vector<32x4096xi1>
    %and3A_83 = vector.broadcast %gt3A_81 : vector<1x4096xi1> to vector<32x4096xi1>
    %and3A_84 = arith.andi %and3A_82, %and3A_83 : vector<32x4096xi1>
    %jit3A_85 = arith.constant 0.000000e+00 : f32
    %jit3A_86 = arith.constant 1.000000e+00 : f32
    %broadcast_in_dim3A_87 = vector.broadcast %jit3A_85 : f32 to vector<32x4096xf32>
    %broadcast_in_dim3A_88 = vector.broadcast %jit3A_86 : f32 to vector<32x4096xf32>
    %select_n3A_89 = arith.select %and3A_84, %broadcast_in_dim3A_87, %broadcast_in_dim3A_88 : vector<32x4096xi1>, vector<32x4096xf32>
    %mul3A_90 = arith.mulf %exp3A_71, %select_n3A_89 : vector<32x4096xf32>
    %get3A_91 = arith.constant 0 : index
    %get3A_92 = arith.constant 0 : index
    %get3A_93 = vector.load %arg7[%get3A_91, %get3A_92] : memref<32x128xf32, #tpu.memory_space<vmem>>, vector<32x128xf32>
    %reshape3A_94 = vector.shape_cast %mul3A_90 : vector<32x4096xf32> to vector<32x32x128xf32>
    %reduce_sum3A_95 = arith.constant dense<0.000000e+00> : vector<32x128xf32>
    %reduce_sum3A_96 = vector.multi_reduction <add>, %reshape3A_94, %reduce_sum3A_95 [1] : vector<32x32x128xf32> to vector<32x128xf32>
    %add3A_97 = arith.addf %get3A_93, %reduce_sum3A_96 : vector<32x128xf32>
    %swap3A_98 = arith.constant 0 : index
    %swap3A_99 = arith.constant 0 : index
    %swap3A_100 = vector.load %arg7[%swap3A_98, %swap3A_99] : memref<32x128xf32, #tpu.memory_space<vmem>>, vector<32x128xf32>
    tpu.vector_store %arg7[%swap3A_98, %swap3A_99], %add3A_97 {strides = array<i32>} : memref<32x128xf32, #tpu.memory_space<vmem>>, vector<32x128xf32>,
    %eq3A_101 = arith.constant 15 : i32
    %eq3A_102 = arith.cmpi eq, %arg0, %eq3A_101 : i32
    %convert_element_type3A_103 = arith.extui %eq3A_102 : i1 to i32
    %cond3A_104 = arith.constant 0 : i32
    %cond3A_105 = arith.cmpi ne, %convert_element_type3A_103, %cond3A_104 : i32
    scf.if %cond3A_105 {
      %get3A_106 = arith.constant 0 : index
      %get3A_107 = arith.constant 0 : index
      %get3A_108 = vector.load %arg7[%get3A_106, %get3A_107] : memref<32x128xf32, #tpu.memory_space<vmem>>, vector<32x128xf32>
      %reduce_sum3A_109 = arith.constant dense<0.000000e+00> : vector<32xf32>
      %reduce_sum3A_110 = vector.multi_reduction <add>, %get3A_108, %reduce_sum3A_109 [1] : vector<32x128xf32> to vector<32xf32>
      %mul3A_111 = arith.mulf %div3A_7, %div3A_7 : vector<32x256xf32>
      %reduce_sum3A_112 = arith.constant dense<0.000000e+00> : vector<32xf32>
      %reduce_sum3A_113 = vector.multi_reduction <add>, %mul3A_111, %reduce_sum3A_112 [1] : vector<32x256xf32> to vector<32xf32>
      %sub3A = arith.constant 0.000000e+00 : f32
      %sub3A_114 = vector.broadcast %sub3A : f32 to vector<32xf32>
      %sub3A_115 = arith.subf %reduce_sum3A_113, %sub3A_114 : vector<32xf32>
      %div3A_116 = arith.constant 1.000000e-01 : f32
      %div3A_117 = vector.broadcast %div3A_116 : f32 to vector<32xf32>
      %div3A_118 = arith.divf %sub3A_115, %div3A_117 : vector<32xf32>
      %div3A_119 = arith.constant 1.000000e-01 : f32
      %div3A_120 = vector.broadcast %div3A_119 : f32 to vector<32xf32>
      %div3A_121 = arith.divf %sub3A_115, %div3A_120 : vector<32xf32>
      %exp3A_122 = math.exp %div3A_121 : vector<32xf32>
      %add3A_123 = arith.addf %exp3A_122, %reduce_sum3A_110 : vector<32xf32>
      %log3A = math.log %add3A_123 : vector<32xf32>
      %sub3A_124 = arith.subf %div3A_118, %log3A : vector<32xf32>
      %neg3A = arith.constant 0.000000e+00 : f32
      %neg3A_125 = vector.broadcast %neg3A : f32 to vector<32xf32>
      %neg3A_126 = arith.subf %neg3A_125, %sub3A_124 : vector<32xf32>
      %reduce_sum3A_127 = vector.shape_cast %neg3A_126 : vector<32xf32> to vector<1x32xf32>
      %reduce_sum3A_128 = arith.constant dense<0.000000e+00> : vector<1xf32>
      %reduce_sum3A_129 = vector.multi_reduction <add>, %reduce_sum3A_127, %reduce_sum3A_128 [1] : vector<1x32xf32> to vector<1xf32>
      %reduce_sum3A_130 = vector.shape_cast %reduce_sum3A_129 : vector<1xf32> to vector<1x1xf32>
      %reduce_sum3A_131 = vector.extract %reduce_sum3A_130[0, 0] : f32 from vector<1x1xf32>
      %div3A_132 = arith.constant 3.200000e+01 : f32
      %div3A_133 = arith.divf %reduce_sum3A_131, %div3A_132 : f32
      %reshape3A_134 = vector.broadcast %div3A_133 : f32 to vector<1x1xf32>
      %swap3A_135 = arith.constant 0 : index
      %swap3A_136 = arith.constant 0 : index
      %swap3A_137 = vector.load %arg6[%swap3A_135, %swap3A_136] : memref<1x1xf32, #tpu.memory_space<vmem>>, vector<1x1xf32>
      tpu.vector_store %arg6[%swap3A_135, %swap3A_136], %reshape3A_134 {strides = array<i32>} : memref<1x1xf32, #tpu.memory_space<vmem>>, vector<1x1xf32>,
    } else {
    }
    return
  }
  func.func @transform_0(%arg0: i32) -> (i32, i32, i32) {
    %c0_i32 = arith.constant 0 : i32
    %c0_i32_0 = arith.constant 0 : i32
    %c0_i32_1 = arith.constant 0 : i32
    return %arg0, %c0_i32, %c0_i32_0 : i32, i32, i32
  }
  func.func @transform_1(%arg0: i32) -> (i32, i32, i32) {
    %add3A = arith.constant 16 : i32
    %add3A_0 = arith.addi %arg0, %add3A : i32
    %c0_i32 = arith.constant 0 : i32
    %c0_i32_1 = arith.constant 0 : i32
    %c0_i32_2 = arith.constant 0 : i32
    return %add3A_0, %c0_i32, %c0_i32_1 : i32, i32, i32
  }
  func.func @transform_2(%arg0: i32) -> (i32, i32, i32) {
    %c0_i32 = arith.constant 0 : i32
    %c0_i32_0 = arith.constant 0 : i32
    %c0_i32_1 = arith.constant 0 : i32
    return %arg0, %c0_i32, %c0_i32_0 : i32, i32, i32
  }
  func.func @transform_3(%arg0: i32) -> (i32, i32, i32) {
    %add3A = arith.constant 16 : i32
    %add3A_0 = arith.addi %arg0, %add3A : i32
    %c0_i32 = arith.constant 0 : i32
    %c0_i32_1 = arith.constant 0 : i32
    %c0_i32_2 = arith.constant 0 : i32
    return %add3A_0, %c0_i32, %c0_i32_1 : i32, i32, i32
  }
  func.func @transform_4(%arg0: i32) -> (i32, i32) {
    %c0_i32 = arith.constant 0 : i32
    %c0_i32_0 = arith.constant 0 : i32
    %c0_i32_1 = arith.constant 0 : i32
    return %c0_i32, %c0_i32_0 : i32, i32
  }
  func.func @transform_5(%arg0: i32) -> (i32, i32) {
    %c0_i32 = arith.constant 0 : i32
    %c0_i32_0 = arith.constant 0 : i32
    %c0_i32_1 = arith.constant 0 : i32
    return %c0_i32, %c0_i32_0 : i32, i32
  }
}

</mosaic_0001>

<sc_bundles>
// kernel: kernel.4.cloned.1.call-start
scs
__scs_entry_jumppad:
0x0: {  	(pc) =	sbr.rel $0x88, $3  }
0x1: {  	(tag) =	ssettag $0x0;
	lr =	simm.s32 $0x1  }
0x2: {  	[smem:$0x3F9E] =	sst lr;
	_ =	strace $0xD0000000  }
0x3: {  	_ = 	snop  }
0x4: {  	_ = 	snop  }
0x5: {  	_ = 	snop  }
0x6: {  	_ = 	snop  }
0x7: {  	_ = 	snop  }
__scs_overlays_trampoline_lowered:
0x8: {  	[smem:$0x3FAD] =	sst s0  }
0x9: {  	[smem:$0x3FAE] =	sst s1  }
0xa: {  	[smem:$0x3FAF] =	sst s2  }
0xb: {  	[smem:$0x3FB0] =	sst s3  }
0xc: {  	[smem:$0x3FB1] =	sst s4  }
0xd: {  	[smem:$0x3FB2] =	sst s5  }
0xe: {  	[smem:$0x3FB3] =	sst s6  }
0xf: {  	[smem:$0x3FB4] =	sst s7  }
0x10: {  	[smem:$0x3FB5] =	sst s8  }
0x11: {  	[smem:$0x3FB6] =	sst s9;
	s0 =	simm.s32 @!p0 $0x0  }
0x12: {  	s1 =	sld [smem:$0x3F9C];
	s0 =	simm.s32 @p0 $0x1  }
0x13: {  	[smem:$0x3FB7] =	sst s0;
	s0 =	simm.s32 @!p1 $0x0  }
0x14: {  	s2 =	sld [smem:$0x3F9B];
	s0 =	simm.s32 @p1 $0x1  }
0x15: {  	[smem:$0x3FB8] =	sst s0;
	s0 =	simm.s32 @!p2 $0x0  }
0x16: {  	s3 =	sld [smem:$0x3FDB];
	s0 =	simm.s32 @p2 $0x1  }
0x17: {  	s4 =	simm.s32 $0x1BF5;
	[smem:$0x3FBA] =	sst s0  }
0x18: {  	s0 =	sld [smem:$0x3F9D];
	_ =	swait.ge [sflag:s4], $0x0  }
0x19: {  	s7 =	sld [smem:$0x3F9E]  }
0x1a: {  	s8 =	sadd.s32 $0xFFFFE003, lr  }
0x1b: {  	s9 =	sadd.s32 $0xFFFFFEF7, lr;
	s5 =	simm.s32 $0xFFFFFFFF;
	p2 =	slt.u32 s8, $0xFFFFF086  }
0x1c: {  	p1 =	slt.u32 s9, $0xF7A;
	s5 =	simm.s32 @!p2 $0x0  }
0x1d: {  	s5 =	simm.s32 @p1 $0x1;
	p0 =	seq.s32 s7, s2  }
0x1e: {  	s7 =	smul.u32 @!p0 $0xF7A, s2;
	p2 =	seq.s32 @!p0 s5, $0x0  }
0x1f: {  	s9 =	smul.u32 $0xF7A, s1;
	s8 =	simm.s32 @!p0 $0x1BF5;
	p2 =	por !p2, p0  }
0x20: {  	[sflag:s8] =	ssyncset.s32 @!p0 $0xFFFFF086;
	s6 =	sadd.s32 @!p0 s3, s7;
	s7 =	simm.s32 @!p0 $0x108  }
0x21: {  	s3 =	sadd.s32 s3, s9;
	s6 =	sadd.s32 @!p0 $0x88, s6;
	s7 =	simm.s32 @p2 $0x1082  }
0x22: {  	[simem:s7], [sflag:s8] =	dma.local @!p0 [hbm:s6], $0xF7A  }
0x23: {  	s9 =	sor.u32 $0xD0000000, s2;
	s6 =	simm.s32 $0x108;
	_ =	swait.ge @!p0 [sflag:s8], $0x0  }
0x24: {  	s3 =	sadd.s32 $0x88, s3;
	s6 =	simm.s32 @!p1 $0x1082;
	[sflag:s4] =	ssyncset.s32 $0xFFFFF086  }
0x25: {  	[simem:s6], [sflag:s4] =	dma.local [hbm:s3], $0xF7A  }
0x26: {  	[smem:$0x3F9E] =	sst s1;
	(tag) =	ssettag s2;
	_ =	strace s9  }
0x27: {  	s1 =	sld [smem:$0x3FAE]  }
0x28: {  	s2 =	sld [smem:$0x3FAF]  }
0x29: {  	s4 =	sld [smem:$0x3FB1]  }
0x2a: {  	p0 =	seq.s32 s5, $0x0;
	s5 =	sld [smem:$0x3FB2]  }
0x2b: {  	s6 =	sld [smem:$0x3FB3]  }
0x2c: {  	s7 =	sld [smem:$0x3FB4]  }
0x2d: {  	s3 =	simm.s32 $0x108;
	s8 =	sld [smem:$0x3FB5]  }
0x2e: {  	s3 =	simm.s32 @!p0 $0x1082;
	s9 =	sld [smem:$0x3FB6]  }
0x2f: {  	lr =	sadd.s32 s0, s3;
	s0 =	sld [smem:$0x3FAD]  }
0x30: {  	s3 =	sld [smem:$0x3FB0]  }
0x31: {  	[smem:$0x3FB9] =	sst s10  }
0x32: {  	s10 =	sld [smem:$0x3FB7];
	_ =	sdelay $0x3  }
0x33: {  	p0 =	seq.s32 s10, $0x1;
	s10 =	sld [smem:$0x3FB9];
	_ =	sdelay $0x3  }
0x34: {  	[smem:$0x3FB9] =	sst s10  }
0x35: {  	s10 =	sld [smem:$0x3FB8];
	_ =	sdelay $0x3  }
0x36: {  	p1 =	seq.s32 s10, $0x1;
	s10 =	sld [smem:$0x3FB9];
	_ =	sdelay $0x3  }
0x37: {  	[smem:$0x3FB9] =	sst s10  }
0x38: {  	s10 =	sld [smem:$0x3FBA]  }
0x39: {  	_ = 	snop;
	(pc) =	sbr.ind lr, $3  }
0x3a: {  	_ = 	snop  }
0x3b: {  	_ = 	snop  }
0x3c: {  	p2 =	seq.s32 s10, $0x1;
	s10 =	sld [smem:$0x3FB9]  }
0x3d: {  	_ =	shalt  }
0x3e: {  	_ =	shalt  }
0x3f: {  	_ =	shalt  }
0x40: {  	_ =	shalt  }
0x41: {  	_ =	shalt  }
0x42: {  	_ =	shalt  }
0x43: {  	_ =	shalt  }
0x44: {  	_ =	shalt  }
0x45: {  	_ =	shalt  }
0x46: {  	_ =	shalt  }
0x47: {  	_ =	shalt  }
0x48: {  	_ =	shalt  }
0x49: {  	_ =	shalt  }
0x4a: {  	_ =	shalt  }
0x4b: {  	_ =	shalt  }
0x4c: {  	_ =	shalt  }
0x4d: {  	_ =	shalt  }
0x4e: {  	_ =	shalt  }
0x4f: {  	_ =	shalt  }
0x50: {  	_ =	shalt  }
0x51: {  	_ =	shalt  }
0x52: {  	_ =	shalt  }
0x53: {  	_ =	shalt  }
0x54: {  	_ =	shalt  }
0x55: {  	_ =	shalt  }
0x56: {  	_ =	shalt  }
0x57: {  	_ =	shalt  }
0x58: {  	_ =	shalt  }
0x59: {  	_ =	shalt  }
0x5a: {  	_ =	shalt  }
0x5b: {  	_ =	shalt  }
0x5c: {  	_ =	shalt  }
0x5d: {  	_ =	shalt  }
0x5e: {  	_ =	shalt  }
0x5f: {  	_ =	shalt  }
0x60: {  	_ =	shalt  }
0x61: {  	_ =	shalt  }
0x62: {  	_ =	shalt  }
0x63: {  	_ =	shalt  }
0x64: {  	_ =	shalt  }
0x65: {  	_ =	shalt  }
0x66: {  	_ =	shalt  }
0x67: {  	_ =	shalt  }
0x68: {  	_ =	shalt  }
0x69: {  	_ =	shalt  }
0x6a: {  	_ =	shalt  }
0x6b: {  	_ =	shalt  }
0x6c: {  	_ =	shalt  }
0x6d: {  	_ =	shalt  }
0x6e: {  	_ =	shalt  }
0x6f: {  	_ =	shalt  }
0x70: {  	_ =	shalt  }
0x71: {  	_ =	shalt  }
0x72: {  	_ =	shalt  }
0x73: {  	_ =	shalt  }
0x74: {  	_ =	shalt  }
0x75: {  	_ =	shalt  }
0x76: {  	_ =	shalt  }
0x77: {  	_ =	shalt  }
0x78: {  	_ =	shalt  }
0x79: {  	_ =	shalt  }
0x7a: {  	_ =	shalt  }
0x7b: {  	_ =	shalt  }
0x7c: {  	_ =	shalt  }
0x7d: {  	_ =	shalt  }
0x7e: {  	_ =	shalt  }
0x7f: {  	_ =	shalt  }
0x80: {  	_ =	shalt  }
0x81: {  	_ =	shalt  }
0x82: {  	_ =	shalt  }
0x83: {  	_ =	shalt  }
0x84: {  	_ =	shalt  }
0x85: {  	_ =	shalt  }
0x86: {  	_ =	shalt  }
0x87: {  	_ =	shalt  }
.Lfunc_end0:
.L_simem_size_0:
called_computation_lowered:
.L_overlay_start_0:
0x88: {  	s2 =	sld [smem:$0x3FD9]  }
0x89: {  	s3 =	sld [smem:$0x3FFE];
	_ =	sdelay $0x1  }
0x8a: {  	s1 =	srdreg.scid  }
0x8b: {  	s0 =	sand.u32 $0x1, s1  }
0x8c: {  	s16 =	sshll.u32 s0, $0xA;
	s2 =	sadd.s32 s3, s2  }
0x8d: {  	s2 =	sadd.s32 s2, s16  }
0x8e: {  	[smem:$0x3FC5] =	sst s2  }
0x8f: {  	_ = 	snop  }
0x90: {  	(tm) =	ssettm $0x1  }
0x91: {  	s17 =	sld [smem:$0x3FFB];
	_ =	sdelay $0x3  }
0x92: {  	_ =	strace s17  }
0x93: {  	s2 =	sld [smem:$0x3FFC];
	_ =	sdelay $0x3  }
0x94: {  	_ =	strace s2  }
0x95: {  	s2 =	sld [smem:$0x3FFD];
	_ =	sdelay $0x3  }
0x96: {  	_ =	strace s2  }
0x97: {  	_ =	strace $0x8FFFFFFF  }
0x98: {  	s18 =	sld [smem:$0x3FDB];
	_ =	sdelay $0x1  }
0x99: {  	s19 =	simm.s32 $_scs_section_size  }
0x9a: {  	s4 =	simm.s32 $_size__tile_overlayer_lowered;
	s5 =	simm.s32 $_tile_overlayer_lowered  }
0x9b: {  	s22 =	simm.s32 $0x1BFF;
	s21 =	sshll.u32 s5, $0x1;
	s2 =	sadd.s32 s19, s18  }
0x9c: {  	s6 =	simm.s32 $0x0;
	s20 =	sshll.u32 s4, $0x1;
	s4 =	sadd.s32 s21, s2  }
0x9d: {  	[timem:s6], [sflag:s22] =	dma.local [hbm:s4], s20  }
0x9e: {  	_ =	swait.ge [sflag:s22], s20  }
0x9f: {  	s3 =	ssub.s32 $0x0, s20;
	[sflag:s22] =	ssyncset.done $0x0  }
0xa0: {  	[sflag:s22] =	ssyncadd.s32 s3;
	_ =	sdelay $0x1  }
0xa1: {  	s23 =	simm.s32 $0x1B8B  }
0xa2: {  	_ =	swait.ge [sflag:s23], $0x1  }
0xa3: {  	[sflag:s23] =	ssyncset.done $0x0  }
0xa4: {  	s25 =	simm.s32 $0x1B8E;
	s24 =	sld [smem:$0x3FFE];
	[sflag:s23] =	ssyncadd.s32 $0xFFFFFFFF  }
0xa5: {  	s26 =	simm.s32 $execute0_lowered;
	[smem:$0x3FD2] =	sst s25  }
0xa6: {  	s4 =	sshll.u32 s26, $0x1;
	_ =	strace $0x80000046;
	[dreg:$0x1] =	wrdreg $0xFFFFFFFF  }
0xa7: {  	s28 =	simm.s32 $_size_execute0_lowered;
	s2 =	sadd.s32 s2, s4;
	[dreg:$0x0] =	wrdreg $0x0  }
0xa8: {  	s4 =	sshll.u32 s28, $0x1;
	[dreg:$0x2] =	wrdreg s2  }
0xa9: {  	[dreg:$0x3] =	wrdreg s4  }
0xaa: {  	[dreg:$0x4] =	wrdreg $0xC0  }
0xab: {  	_ =	task [dreg:s6], $0x5FFFF  }
0xac: {  	[dreg:$0x1] =	wrdreg $0xFFFFFFFF  }
0xad: {  	[dreg:$0x0] =	wrdreg $0x60  }
0xae: {  	[dreg:$0x2] =	wrdreg s24  }
0xaf: {  	[dreg:$0x3] =	wrdreg $0x9  }
0xb0: {  	_ =	task.clear_ibuf [dreg:s6], $0x4FFFF;
	_ =	strace $0x90000046  }
0xb1: {  	s29 =	simm.s32 $0x9;
	_ =	strace $0x80000048  }
0xb2: {  	_ =	swait.ge [sflag:s29], $0x1  }
0xb3: {  	[sflag:s29] =	ssyncadd.s32 $0xFFFFFFFF  }
0xb4: {  	_ =	strace $0x90000048  }
0xb5: {  	_ =	sfence  }
0xb6: {  	s30 =	sld [smem:$0x0];
	_ =	sdelay $0x2  }
0xb7: {  	s31 =	sshll.u32 s1, $0xD;
	s1 =	sshrl.u32 s1, $0x2  }
0xb8: {  	s3 =	sand.u32 $0x4000, s31;
	s1 =	sadd.s32 s1, s30  }
0xb9: {  	s0 =	sor.u32 s3, s0;
	s1 =	sshll.u32 s1, $0x11  }
0xba: {  	s0 =	sor.u32 s1, s0  }
0xbb: {  	s0 =	sadd.s32 $0x8F2B, s0  }
0xbc: {  	[sflag:s0] =	ssyncadd.remote.s32 $0x1  }
0xbd: {  	_ =	sfence.sel $0xFFFF  }
0xbe: {  	[dreg:$0x0] =	wrdreg $0xFFFFFFFF;
	(pc) =	sbr.abs _section_cstart, $3  }
0xbf: {  	[dreg:$0x1] =	wrdreg $0xFFFFFFFF  }
0xc0: {  	_ =	task.clear_ibuf [dreg:s6], $0x2FFFF;
	_ =	strace $0x9FFFFFFF  }
0xc1: {  	(tm) =	ssettm $0x7FFFFFFF  }
tec
execute0_lowered:
.L_overlay_start_1:
0x0: {  	(tag) =	ssettag $0x1  }
0x1: {  	v1 =	vlaneseq.u32  }
0x2: {  	v2 =	vimm.s32 $0x76543210;
	v3 =	vimm.s32 $0xFEDCBA98;
	v4 =	vimm.s32 $0x3210FEDC  }
0x3: {  	v5 =	vimm.s32 $0xBA987654;
	v6 =	vimm.s32 $0x10FEDCBA;
	v7 =	vimm.s32 $0x98765432  }
0x4: {  	v8 =	vimm.s32 $0xFEDCBA9;
	v9 =	vimm.s32 $0x87654321;
	v2 =	vunpack.c.l.s4.s8 v2  }
0x5: {  	v3 =	vunpack.c.l.s4.s8 v3;
	v4 =	vunpack.c.l.s4.s8 v4;
	v5 =	vunpack.c.l.s4.s8 v5  }
0x6: {  	v6 =	vunpack.c.l.s4.s8 v6;
	v7 =	vunpack.c.l.s4.s8 v7;
	v8 =	vunpack.c.l.s4.s8 v8  }
0x7: {  	v9 =	vunpack.c.l.s4.s8 v9;
	v20 =	vmul.u32 $0x80, v1;
	v4 =	vunpack.c.0.s8.s32 v4  }
0x8: {  	v5 =	vunpack.c.0.s8.s32 v5;
	v6 =	vunpack.c.0.s8.s32 v6;
	v7 =	vunpack.c.0.s8.s32 v7  }
0x9: {  	v3 =	vunpack.c.0.s8.s32 v3;
	v8 =	vunpack.c.0.s8.s32 v8;
	v9 =	vunpack.c.0.s8.s32 v9  }
0xa: {  	s1 =	srdreg.scid;
	v10 =	vunpack.c.0.s8.s32 v2;
	v2 =	vmul.u32 $0x20, v1;
	v24 =	vor.u32 $0x800, v20  }
0xb: {  	s0 =	stileid.u32;
	s4 =	rddreg [dreg:$0x0];
	s8 =	simm.s32 $0x400;
	v25 =	vor.u32 $0x1000, v20;
	v26 =	vor.u32 $0x1800, v20;
	v27 =	vor.u32 $0x2000, v20  }
0xc: {  	s9 =	simm.s32 $0x2;
	s3 =	sand.u32 $0x1, s1;
	s28 =	sshll.u32 s0, $0x1;
	v28 =	vor.u32 $0x2800, v20;
	v29 =	vor.u32 $0x3000, v20;
	v30 =	vor.u32 $0x3800, v20  }
0xd: {  	s10 =	simm.s32 $0x9200;
	s11 =	simm.s32 $0x9280;
	s2 =	sor.u32 s3, s28;
	v31 =	vor.u32 $0x4000, v20;
	v32 =	vor.u32 $0x4800, v20;
	v33 =	vor.u32 $0x5000, v20  }
0xe: {  	s12 =	simm.s32 $0x100;
	s13 =	simm.s32 $0x1000;
	s1 =	sshll.u32 s2, $0xD;
	v34 =	vor.u32 $0x5800, v20;
	v35 =	vor.u32 $0x6000, v20;
	v36 =	vor.u32 $0x6800, v20  }
0xf: {  	s14 =	simm.s32 $0x1100;
	s15 =	simm.s32 $0x1;
	s5 =	sshrl.u32 s0, $0x2;
	v37 =	vor.u32 $0x7000, v20;
	v38 =	vor.u32 $0x7800, v20;
	v0 =	vmov s1  }
0x10: {  	s16 =	simm.s32 $0x9100;
	s17 =	simm.s32 $0x0;
	s7 =	sshll.u32 s5, $0xF;
	v4 =	vcombine.low v5, v4;
	v5 =	vcombine.low v7, v6;
	v3 =	vand.u32 $0xF, v3  }
0x11: {  	s5 =	sshll.u32 s5, $0xB;
	s30 =	ssub.s32 $0x2, s3;
	s6 =	sshll.u32 s2, $0x7;
	v6 =	vcombine.low v9, v8;
	v7 =	vimm.s32 $0x0;
	v8 =	vor.u32 $0x200, v2  }
0x12: {  	s3 =	sadd.s32 $0x800A00, s4;
	s2 =	simm.s32 $0x0;
	s6 =	sand.u32 $0x380, s6;
	v9 =	vor.u32 $0x400, v2;
	v11 =	vor.u32 $0x800, v2;
	v12 =	vor.u32 $0xA00, v2  }
0x13: {  	s31 =	sshrl.u32 s30, $0x1;
	s1 =	rddreg [dreg:$0x1];
	s7 =	sor.u32 s7, s6;
	v13 =	vor.u32 $0xC00, v2;
	v14 =	vor.u32 $0xE00, v2;
	v15 =	vor.u32 $0x1000, v2  }
0x14: {  	[smem:$0x7FF] =	sst s2;
	s5 =	sor.u32 s5, s6;
	v16 =	vor.u32 $0x1200, v2;
	v17 =	vor.u32 $0x1400, v2;
	v18 =	vor.u32 $0x1600, v2;
	s7 =	sshrl.u32 s7, $0x3  }
0x15: {  	_ =	strace $0x80000047;
	v19 =	vor.u32 $0x1800, v2;
	v21 =	vor.u32 $0x1A00, v2;
	v22 =	vor.u32 $0x1C00, v2;
	s5 =	sshrl.u32 s5, $0x3;
	s29 =	sadd.s32 s7, s4  }
0x16: {  	v23 =	vor.u32 $0x1E00, v2;
	v3 =	vcombine.low v3, v10;
	v10 =	vor.u32 $0x600, v2;
	s5 =	sadd.s32 s5, s4;
	s7 =	ssub.s32 s30, s31;
	s4 =	sadd.s32 $0xA00, s29  }
0x17: {  	v4 =	vand.u32 $0xF, v4;
	v5 =	vand.u32 $0xF, v5;
	v6 =	vand.u32 $0xF, v6;
	s5 =	sadd.s32 $0x4A00, s5;
	s6 =	smax.u32 s7, $0x1;
	s7 =	simm.s32 $0x80  }
.LBB2_1:
0x18: {  	[tilespmem:s2], [sflag:$0x2] =	stream.strided.gather [hbm4b:s4+s7], $0x1000, s8, s7, $0x38;
	[tilespmem:$0x9300] =	vst v63  }
0x19: {  	_ =	swait.ge [sflag:s9], $0x1000  }
0x1a: {  	[sflag:s9] =	ssyncset.done $0x0  }
0x1b: {  	[sflag:s9] =	ssyncadd.s32 $0xFFFFF000  }
0x1c: {  	v39 =	vld [tilespmem:s2+$0x0];
	_ =	sdelay $0x3  }
0x1d: {  	v40 =	vimm.f32 $-Inf  }
0x1e: {  	s18 =	simm.s32 $0x10;
	v42 =	vor.u32 s2, v1;
	s19 =	simm.s32 $0x10;
	v41 =	vimm.s32 $0x0;
	vm0 =	vgt.f32 v39, v40  }
.LBB2_2:
0x1f: {  	p0 =	sne.s32 s18, $0xFF0;
	v40 =	vsel vm0, v39, v40;
	v39 =	vld [tilespmem:s19+$0x0];
	v41 =	vsel vm0, v42, v41;
	s20 =	smov.u32 s18;
	s18 =	sadd.s32 $0x10, s18  }
.Ltmp0:
0x20: {  	(pc) =	sbr.rel @p0 .LBB2_2-.Ltmp0, $2  }
0x21: {  	_ =	sdelay $0x2  }
0x22: {  	s19 =	sadd.s32 $0x10, s19;
	v42 =	vor.u32 s20, v1;
	vm0 =	vgt.f32 v39, v40  }
0x23: {  	_ = 	snop  }
0x24: {  	v39 =	vsel vm0, v39, v40  }
0x25: {  	v61 =	vsel vm0, v42, v41;
	[tilespmem:$0x9200] =	vst v39  }
0x26: {  	[tilespmem:$0x9280] =	vst v61  }
0x27: {  	v39 =	vld.idx.msk [tilespmem:v3+s10+$0x0], $0xffff  }
0x28: {  	v62 =	vld.idx.msk [tilespmem:v3+s11+$0x0], $0xffff  }
0x29: {  	v63 =	vld [tilespmem:$0x9200];
	_ =	sdelay $0x4  }
0x2a: {  	vm4 =	veq.f32 v39, v63;
	vm1 =	vlt.s32 v62, v61  }
0x2b: {  	vm2 =	vgt.f32 v39, v63;
	vm0 =	vmand vm1, vm4  }
0x2c: {  	vm0 =	vmor vm2, vm0  }
0x2d: {  	v39 =	vsel vm0, v39, v63  }
0x2e: {  	v45 =	vsel vm0, v62, v61;
	[tilespmem:$0x9200] =	vst v39  }
0x2f: {  	[tilespmem:$0x9280] =	vst v45  }
0x30: {  	v46 =	vld.idx.msk [tilespmem:v4+s10+$0x0], $0xffff  }
0x31: {  	v47 =	vld.idx.msk [tilespmem:v4+s11+$0x0], $0xffff  }
0x32: {  	v48 =	vld [tilespmem:$0x9200];
	_ =	sdelay $0x4  }
0x33: {  	vm5 =	veq.f32 v46, v48;
	vm6 =	vlt.s32 v47, v45  }
0x34: {  	vm7 =	vgt.f32 v46, v48;
	vm0 =	vmand vm6, vm5  }
0x35: {  	vm0 =	vmor vm7, vm0  }
0x36: {  	v40 =	vsel vm0, v46, v48  }
0x37: {  	v39 =	vsel vm0, v47, v45;
	[tilespmem:$0x9200] =	vst v40  }
0x38: {  	[tilespmem:$0x9280] =	vst v39  }
0x39: {  	v40 =	vld.idx.msk [tilespmem:v5+s10+$0x0], $0xffff  }
0x3a: {  	v49 =	vld.idx.msk [tilespmem:v5+s11+$0x0], $0xffff  }
0x3b: {  	v50 =	vld [tilespmem:$0x9200];
	_ =	sdelay $0x4  }
0x3c: {  	vm8 =	veq.f32 v40, v50;
	vm9 =	vlt.s32 v49, v39  }
0x3d: {  	vm10 =	vgt.f32 v40, v50;
	vm0 =	vmand vm9, vm8  }
0x3e: {  	vm0 =	vmor vm10, vm0  }
0x3f: {  	v40 =	vsel vm0, v40, v50  }
0x40: {  	v39 =	vsel vm0, v49, v39;
	[tilespmem:$0x9200] =	vst v40  }
0x41: {  	[tilespmem:$0x9280] =	vst v39  }
0x42: {  	v40 =	vld.idx.msk [tilespmem:v6+s10+$0x0], $0xffff  }
0x43: {  	v51 =	vld.idx.msk [tilespmem:v6+s11+$0x0], $0xffff  }
0x44: {  	v52 =	vld [tilespmem:$0x9200];
	_ =	sdelay $0x4  }
0x45: {  	vm11 =	veq.f32 v40, v52;
	vm12 =	vlt.s32 v51, v39  }
0x46: {  	vm13 =	vgt.f32 v40, v52;
	vm0 =	vmand vm12, vm11  }
0x47: {  	vm0 =	vmor vm13, vm0  }
0x48: {  	v39 =	vsel vm0, v51, v39  }
0x49: {  	v41 =	vshra.s32 v39, $0x1F  }
0x4a: {  	v41 =	vshrl.u32 v41, $0x19  }
0x4b: {  	v41 =	vadd.s32 v41, v39  }
0x4c: {  	v41 =	vshra.s32 v41, $0x7  }
0x4d: {  	v43 =	vshll.u32 v41, $0x7  }
0x4e: {  	vm15 =	vlt.s32 v39, $0x1;
	vm14 =	vne.s32 v39, v43  }
0x4f: {  	vm1 =	vmand vm15, vm14  }
0x50: {  	v40 =	vsel vm0, v40, v52;
	v41 =	vadd.s32 v0, v41;
	v53 =	vsel vm1, $0xFFFFFFFF, v7  }
0x51: {  	[tilespmem:$0x9200] =	vst v40;
	v54 =	vadd.s32 v53, v41  }
0x52: {  	[tilespmem:$0x9280] =	vst v39;
	v41 =	vadd.s32 v2, v54  }
0x53: {  	v55 =	vadd.s32 v8, v54;
	[tilespmem:$0x1000] =	vst v41  }
0x54: {  	v56 =	vadd.s32 v9, v54;
	[tilespmem:$0x1010] =	vst v55  }
0x55: {  	v57 =	vadd.s32 v10, v54;
	[tilespmem:$0x1020] =	vst v56  }
0x56: {  	v58 =	vadd.s32 v11, v54;
	[tilespmem:$0x1030] =	vst v57  }
0x57: {  	v59 =	vadd.s32 v12, v54;
	[tilespmem:$0x1040] =	vst v58  }
0x58: {  	v60 =	vadd.s32 v13, v54;
	[tilespmem:$0x1050] =	vst v59  }
0x59: {  	v61 =	vadd.s32 v14, v54;
	[tilespmem:$0x1060] =	vst v60  }
0x5a: {  	v62 =	vadd.s32 v15, v54;
	[tilespmem:$0x1070] =	vst v61  }
0x5b: {  	v63 =	vadd.s32 v16, v54;
	[tilespmem:$0x1080] =	vst v62  }
0x5c: {  	v44 =	vadd.s32 v17, v54;
	[tilespmem:$0x1090] =	vst v63  }
0x5d: {  	v45 =	vadd.s32 v18, v54;
	[tilespmem:$0x10A0] =	vst v44  }
0x5e: {  	v46 =	vadd.s32 v19, v54;
	[tilespmem:$0x10B0] =	vst v45  }
0x5f: {  	v47 =	vadd.s32 v21, v54;
	[tilespmem:$0x10C0] =	vst v46  }
0x60: {  	v48 =	vadd.s32 v22, v54;
	[tilespmem:$0x10D0] =	vst v47  }
0x61: {  	v39 =	vand.u32 $0x7F, v39;
	v40 =	vadd.s32 v23, v54;
	[tilespmem:$0x10E0] =	vst v48  }
0x62: {  	v49 =	vor.u32 v20, v39;
	[tilespmem:$0x10F0] =	vst v40  }
0x63: {  	[tilespmem:s14], [sflag:$0x1] =	stream.indirect.gather [hbm4b:s3+s12], $0x80, s13, s12, $0xb8;
	[tilespmem:$0x9300] =	vst v63  }
0x64: {  	_ =	swait.ge [sflag:s15], $0x8000  }
0x65: {  	[sflag:s15] =	ssyncset.done $0x0  }
0x66: {  	[sflag:s15] =	ssyncadd.s32 $0xFFFF8000  }
0x67: {  	v40 =	vld.idx.msk [tilespmem:v49+s14+$0x0], $0xffff  }
0x68: {  	v50 =	vor.u32 v24, v39;
	_ =	sdelay $0x3  }
0x69: {  	[tilespmem:$0x9100] =	vst v40  }
0x6a: {  	v40 =	vld.idx.msk [tilespmem:v50+s14+$0x0], $0xffff  }
0x6b: {  	v51 =	vor.u32 v25, v39;
	_ =	sdelay $0x3  }
0x6c: {  	[tilespmem:$0x9110] =	vst v40  }
0x6d: {  	v40 =	vld.idx.msk [tilespmem:v51+s14+$0x0], $0xffff  }
0x6e: {  	v52 =	vor.u32 v26, v39;
	_ =	sdelay $0x3  }
0x6f: {  	[tilespmem:$0x9120] =	vst v40  }
0x70: {  	v40 =	vld.idx.msk [tilespmem:v52+s14+$0x0], $0xffff  }
0x71: {  	v53 =	vor.u32 v27, v39;
	_ =	sdelay $0x3  }
0x72: {  	[tilespmem:$0x9130] =	vst v40  }
0x73: {  	v40 =	vld.idx.msk [tilespmem:v53+s14+$0x0], $0xffff  }
0x74: {  	v54 =	vor.u32 v28, v39;
	_ =	sdelay $0x3  }
0x75: {  	[tilespmem:$0x9140] =	vst v40  }
0x76: {  	v40 =	vld.idx.msk [tilespmem:v54+s14+$0x0], $0xffff  }
0x77: {  	v55 =	vor.u32 v29, v39;
	_ =	sdelay $0x3  }
0x78: {  	[tilespmem:$0x9150] =	vst v40  }
0x79: {  	v40 =	vld.idx.msk [tilespmem:v55+s14+$0x0], $0xffff  }
0x7a: {  	v56 =	vor.u32 v30, v39;
	_ =	sdelay $0x3  }
0x7b: {  	[tilespmem:$0x9160] =	vst v40  }
0x7c: {  	v40 =	vld.idx.msk [tilespmem:v56+s14+$0x0], $0xffff  }
0x7d: {  	v57 =	vor.u32 v31, v39;
	_ =	sdelay $0x3  }
0x7e: {  	[tilespmem:$0x9170] =	vst v40  }
0x7f: {  	v40 =	vld.idx.msk [tilespmem:v57+s14+$0x0], $0xffff  }
0x80: {  	v58 =	vor.u32 v32, v39;
	_ =	sdelay $0x3  }
0x81: {  	[tilespmem:$0x9180] =	vst v40  }
0x82: {  	v40 =	vld.idx.msk [tilespmem:v58+s14+$0x0], $0xffff  }
0x83: {  	v59 =	vor.u32 v33, v39;
	_ =	sdelay $0x3  }
0x84: {  	[tilespmem:$0x9190] =	vst v40  }
0x85: {  	v40 =	vld.idx.msk [tilespmem:v59+s14+$0x0], $0xffff  }
0x86: {  	v60 =	vor.u32 v34, v39;
	_ =	sdelay $0x3  }
0x87: {  	[tilespmem:$0x91A0] =	vst v40  }
0x88: {  	v40 =	vld.idx.msk [tilespmem:v60+s14+$0x0], $0xffff  }
0x89: {  	v61 =	vor.u32 v35, v39;
	_ =	sdelay $0x3  }
0x8a: {  	[tilespmem:$0x91B0] =	vst v40  }
0x8b: {  	v40 =	vld.idx.msk [tilespmem:v61+s14+$0x0], $0xffff  }
0x8c: {  	v62 =	vor.u32 v36, v39;
	_ =	sdelay $0x3  }
0x8d: {  	[tilespmem:$0x91C0] =	vst v40  }
0x8e: {  	v40 =	vld.idx.msk [tilespmem:v62+s14+$0x0], $0xffff  }
0x8f: {  	v63 =	vor.u32 v37, v39;
	_ =	sdelay $0x3  }
0x90: {  	[tilespmem:$0x91D0] =	vst v40  }
0x91: {  	v40 =	vld.idx.msk [tilespmem:v63+s14+$0x0], $0xffff  }
0x92: {  	v39 =	vor.u32 v38, v39;
	_ =	sdelay $0x3  }
0x93: {  	[tilespmem:$0x91E0] =	vst v40  }
0x94: {  	v39 =	vld.idx.msk [tilespmem:v39+s14+$0x0], $0xffff;
	_ =	sdelay $0x2  }
0x95: {  	s17 =	sadd.s32 $0x1, s17  }
0x96: {  	p0 =	sne.s32 s17, s6  }
.Ltmp1:
0x97: {  	[tilespmem:$0x91F0] =	vst v39;
	(pc) =	sbr.rel @p0 .LBB2_1-.Ltmp1, $4  }
0x98: {  	[hbm4b:s5+s7] =	stream.strided.scatter [tilespmem:s16], [sflag:$0x2], $0x100, s8, s7, $0x38;
	[tilespmem:$0x9300] =	vst v63  }
0x99: {  	_ =	swait.ge [sflag:s9], $0x100  }
0x9a: {  	[sflag:s9] =	ssyncset.done $0x0  }
0x9b: {  	[sflag:s9] =	ssyncadd.s32 $0xFFFFFF00  }
0x9c: {  	_ =	sfence.sel $0x180000  }
0x9d: {  	[bflag:$0x0] =	sbarrier.arrive $0xFFFF  }
0x9e: {  	p0 =	sne.s32 s0, $0x0;
	_ =	strace $0x90000047  }
0x9f: {  	s0 =	sadd.s32 @!p0 $0x100000, s1;
	[bflag:$0x2] =	sbarrier.arrive $0xFFFF  }
0xa0: {  	[sflag:s0] =	ssyncadd.tile.s32 @!p0 $0x1;
	_ =	shalt  }
.Lfunc_end2:
_tile_overlayer_lowered:
.L_overlay_start_2:
0xa1: {  	(tag) =	ssettag $0x2  }
0xa2: {  	s0 =	rddreg [dreg:$0x0];
	s2 =	stileid.u32  }
0xa3: {  	s1 =	rddreg [dreg:$0x1];
	p0 =	sne.s32 s2, $0x0  }
0xa4: {  	s3 =	rddreg [dreg:$0x2];
	[bflag:$0x3] =	sbarrier.arrive $0xFFFF;
	s2 =	simm.s32 @!p0 $0x1C02  }
0xa5: {  	[timem:s3], [sflag:s2] =	dma.local @!p0 [hbm:s0], s1  }
0xa6: {  	s0 =	simm.s32 @!p0 $0x2  }
0xa7: {  	_ =	swait.ge @!p0 [sflag:s0], s1  }
0xa8: {  	s1 =	ssub.s32 @!p0 $0x0, s1;
	[sflag:s0] =	ssyncset.done @!p0 $0x0  }
0xa9: {  	[sflag:s0] =	ssyncadd.s32 @!p0 s1  }
0xaa: {  	[bflag:$0x3] =	sbarrier.arrive $0xFFFF  }
0xab: {  	_ =	shalt  }

</sc_bundles>
